<compile_context>
chip_gen: v7x
topology: tpu7x:2x2x1
jax: 0.10.2.dev20260603
libtpu: 0.0.44.dev20260713+nightly
codegen_flags: <defaults>
</compile_context>

<pallas_src>
import functools

import jax
import jax.numpy as jnp
from jax import lax
from jax.experimental import pallas as pl
from jax.experimental.pallas import tpu as pltpu
from jax.experimental.pallas import tpu_sc as plsc

B = 4096
S = 200
D = 64
NW = 32
ROWS_PER_W = B // NW
SUP = 4
NSUP = ROWS_PER_W // SUP
SPLITS = ((0, 104), (104, 96))

_mesh = plsc.VectorSubcoreMesh(core_axis_name="c", subcore_axis_name="s")


@functools.partial(
    pl.kernel,
    out_type=jax.ShapeDtypeStruct((B * S, D), jnp.float32),
    mesh=_mesh,
    scratch_types=[
        pltpu.VMEM((ROWS_PER_W, S), jnp.int32),
        pltpu.VMEM((2, SUP * S, D), jnp.float32),
        pltpu.SemaphoreType.DMA,
        pltpu.SemaphoreType.DMA,
    ],
    compiler_params=pltpu.CompilerParams(use_tc_tiling_on_sc=False),
)
def _gather_kernel(x_hbm, table_hbm, out_hbm, idx_v, rows_v, gsem, wsem):
    wid = lax.axis_index("s") * 2 + lax.axis_index("c")
    row_base = wid * ROWS_PER_W
    pltpu.sync_copy(x_hbm.at[pl.ds(row_base, ROWS_PER_W)], idx_v)

    def fire_gathers(sc, buf):
        cps = []
        for s in range(SUP):
            for off, ln in SPLITS:
                cps.append(
                    pltpu.async_copy(
                        table_hbm.at[idx_v.at[sc * SUP + s, pl.ds(off, ln)]],
                        rows_v.at[buf, pl.ds(s * S + off, ln)],
                        gsem,
                    )
                )
        return cps

    def fire_wb(sc, buf):
        row0 = (row_base + sc * SUP) * S
        return pltpu.async_copy(
            rows_v.at[buf], out_hbm.at[pl.ds(row0, SUP * S)], wsem
        )

    def half_step(sc_gather, buf_gather):
        g = fire_gathers(sc_gather, buf_gather)
        w = fire_wb(sc_gather - 1, 1 - buf_gather)
        for cp in g:
            cp.wait()
        w.wait()

    for cp in fire_gathers(0, 0):
        cp.wait()

    def body(k, carry):
        half_step(2 * k + 1, 1)
        half_step(2 * k + 2, 0)
        return carry

    lax.fori_loop(0, (NSUP - 2) // 2, body, 0)

    half_step(NSUP - 1, 1)
    fire_wb(NSUP - 1, 1).wait()


def kernel(x, table):
    return _gather_kernel(x, table).reshape(B, S, D)

# --- scband reference (transcript-rebuilt; emitter-appended) ---
"""Pipeline reference for scband-embedder-47467978556156 (READ-ONLY COPY).

The authoritative reference and input builder live on the scoring server;
editing this copy changes nothing except your own understanding.
"""

import jax, jax.numpy as jnp
import numpy as np

VOCAB = 1000000
D_MODEL = 64

def setup_inputs(seed: int = 0) -> dict:
    key = jax.random.key(seed)
    k_idx, k_tab = jax.random.split(key)
    x = jax.random.randint(k_idx, (4096, 200), 0, VOCAB, dtype=jnp.int64 if jax.config.jax_enable_x64 else jnp.int32)
    table = jax.random.normal(k_tab, (VOCAB, D_MODEL), dtype=jnp.float32)
    return {"x": x, "table": table}

def reference(x, table):
    # nn.Embedding forward: gather rows of the weight table by index
    return jnp.take(table, x, axis=0)

if __name__ == "__main__":
    import jax
    _d = setup_inputs()
    print(jax.jit(kernel)(*tuple(_d.values())))

</pallas_src>

<mosaic_0001>
#map = affine_map<(d0, d1) -> (0, 0)>
module attributes {stable_mosaic.version = 14 : i64} {
  func.func @_gather_kernel(%arg0: i32, %arg1: i32, %arg2: memref<4096x200xi32, #tpu.memory_space<hbm>>, %arg3: memref<1000000x64xf32, #tpu.memory_space<hbm>>, %arg4: memref<819200x64xf32, #tpu.memory_space<hbm>>, %arg5: memref<128x200xi32, #tpu.memory_space<vmem>>, %arg6: memref<2x800x64xf32, #tpu.memory_space<vmem>>, %arg7: memref<!tpu.dma_semaphore, #tpu.memory_space<semaphore_mem>>, %arg8: memref<!tpu.dma_semaphore, #tpu.memory_space<semaphore_mem>>) attributes {dimension_semantics = [#tpu.dimension_semantics<core_parallel>, #tpu.dimension_semantics<subcore_parallel>], iteration_bounds = array<i64: 2, 16>, scalar_prefetch = 0 : i64, scratch_operands = 4 : i64, tpu.core_type = #tpu.core_type<sc_vector_subcore>, window_params = [{transform_indices = #map}, {transform_indices = #map}, {transform_indices = #map}]} {
    %mul3A = arith.constant 2 : i32
    %mul3A_0 = arith.muli %arg1, %mul3A : i32
    %add3A = arith.addi %mul3A_0, %arg0 : i32
    %mul3A_1 = arith.constant 128 : i32
    %mul3A_2 = arith.muli %add3A, %mul3A_1 : i32
    "tpu.region"() ({
      %run_scoped3A = tpu.sem_alloc : memref<!tpu.dma_semaphore, #tpu.memory_space<semaphore_mem>>
      %dma_start3A_450 = arith.constant 0 : i32
      %dma_start3A_451 = tpu.memref_slice %arg2[%mul3A_2, %dma_start3A_450] : memref<4096x200xi32, #tpu.memory_space<hbm>> -> memref<128x200xi32, #tpu.memory_space<hbm>>
      %dma_start3A_452 = arith.constant 0 : i32
      %dma_start3A_453 = tpu.memref_slice %arg2[%mul3A_2, %dma_start3A_452] : memref<4096x200xi32, #tpu.memory_space<hbm>> -> memref<128x200xi32, #tpu.memory_space<hbm>>
      tpu.enqueue_dma source(%dma_start3A_453 : memref<128x200xi32, #tpu.memory_space<hbm>>) target(%arg5 : memref<128x200xi32, #tpu.memory_space<vmem>>) target_semaphore(%run_scoped3A : memref<!tpu.dma_semaphore, #tpu.memory_space<semaphore_mem>>)
      %dma_wait3A_454 = arith.constant 0 : i32
      %dma_wait3A_455 = tpu.memref_slice %arg2[%mul3A_2, %dma_wait3A_454] : memref<4096x200xi32, #tpu.memory_space<hbm>> -> memref<128x200xi32, #tpu.memory_space<hbm>>
      %dma_wait3A_456 = arith.constant 0 : i32
      %dma_wait3A_457 = tpu.memref_slice %arg2[%mul3A_2, %dma_wait3A_456] : memref<4096x200xi32, #tpu.memory_space<hbm>> -> memref<128x200xi32, #tpu.memory_space<hbm>>
      tpu.wait_dma2 semaphore(%run_scoped3A : memref<!tpu.dma_semaphore, #tpu.memory_space<semaphore_mem>>) src(%dma_wait3A_457 : memref<128x200xi32, #tpu.memory_space<hbm>>) dst(%arg5 : memref<128x200xi32, #tpu.memory_space<vmem>>)
      tpu.yield
    }) : () -> ()
    %dma_start3A = arith.constant 0 : i32
    %dma_start3A_3 = arith.constant 0 : i32
    %dma_start3A_4 = arith.constant 0 : i32
    %dma_start3A_5 = arith.constant 0 : i32
    %dma_start3A_6 = tpu.memref_slice %arg6[%dma_start3A_3, %dma_start3A_4, %dma_start3A_5] : memref<2x800x64xf32, #tpu.memory_space<vmem>> -> memref<1x104x64xf32, #tpu.memory_space<vmem>>
    %dma_start3A_7 = tpu.memref_squeeze %dma_start3A_6 : memref<1x104x64xf32, #tpu.memory_space<vmem>> -> memref<104x64xf32, #tpu.memory_space<vmem>>
    %dma_start3A_8 = arith.constant 0 : i32
    %dma_start3A_9 = tpu.memref_slice %arg5[%dma_start3A, %dma_start3A_8] : memref<128x200xi32, #tpu.memory_space<vmem>> -> memref<1x104xi32, #tpu.memory_space<vmem>>
    %dma_start3A_10 = tpu.memref_squeeze %dma_start3A_9 : memref<1x104xi32, #tpu.memory_space<vmem>> -> memref<104xi32, #tpu.memory_space<vmem>>
    %dma_start3A_11 = arith.constant 0 : i32
    %dma_start3A_12 = arith.constant 0 : i32
    %dma_start3A_13 = tpu.memref_slice %arg3[%dma_start3A_11, %dma_start3A_12] : memref<1000000x64xf32, #tpu.memory_space<hbm>> -> memref<1000000x64xf32, #tpu.memory_space<hbm>>
    tpu.enqueue_indirect_dma source(%dma_start3A_13 : memref<1000000x64xf32, #tpu.memory_space<hbm>>) target(%dma_start3A_7 : memref<104x64xf32, #tpu.memory_space<vmem>>) offsets(%dma_start3A_10 : memref<104xi32, #tpu.memory_space<vmem>>) semaphore(%arg7 : memref<!tpu.dma_semaphore, #tpu.memory_space<semaphore_mem>>)
    %dma_start3A_14 = arith.constant 0 : i32
    %dma_start3A_15 = arith.constant 0 : i32
    %dma_start3A_16 = arith.constant 104 : i32
    %dma_start3A_17 = arith.constant 0 : i32
    %dma_start3A_18 = tpu.memref_slice %arg6[%dma_start3A_15, %dma_start3A_16, %dma_start3A_17] : memref<2x800x64xf32, #tpu.memory_space<vmem>> -> memref<1x96x64xf32, #tpu.memory_space<vmem>>
    %dma_start3A_19 = tpu.memref_squeeze %dma_start3A_18 : memref<1x96x64xf32, #tpu.memory_space<vmem>> -> memref<96x64xf32, #tpu.memory_space<vmem>>
    %dma_start3A_20 = arith.constant 104 : i32
    %dma_start3A_21 = tpu.memref_slice %arg5[%dma_start3A_14, %dma_start3A_20] : memref<128x200xi32, #tpu.memory_space<vmem>> -> memref<1x96xi32, #tpu.memory_space<vmem>>
    %dma_start3A_22 = tpu.memref_squeeze %dma_start3A_21 : memref<1x96xi32, #tpu.memory_space<vmem>> -> memref<96xi32, #tpu.memory_space<vmem>>
    %dma_start3A_23 = arith.constant 0 : i32
    %dma_start3A_24 = arith.constant 0 : i32
    %dma_start3A_25 = tpu.memref_slice %arg3[%dma_start3A_23, %dma_start3A_24] : memref<1000000x64xf32, #tpu.memory_space<hbm>> -> memref<1000000x64xf32, #tpu.memory_space<hbm>>
    tpu.enqueue_indirect_dma source(%dma_start3A_25 : memref<1000000x64xf32, #tpu.memory_space<hbm>>) target(%dma_start3A_19 : memref<96x64xf32, #tpu.memory_space<vmem>>) offsets(%dma_start3A_22 : memref<96xi32, #tpu.memory_space<vmem>>) semaphore(%arg7 : memref<!tpu.dma_semaphore, #tpu.memory_space<semaphore_mem>>)
    %dma_start3A_26 = arith.constant 1 : i32
    %dma_start3A_27 = arith.constant 0 : i32
    %dma_start3A_28 = arith.constant 200 : i32
    %dma_start3A_29 = arith.constant 0 : i32
    %dma_start3A_30 = tpu.memref_slice %arg6[%dma_start3A_27, %dma_start3A_28, %dma_start3A_29] : memref<2x800x64xf32, #tpu.memory_space<vmem>> -> memref<1x104x64xf32, #tpu.memory_space<vmem>>
    %dma_start3A_31 = tpu.memref_squeeze %dma_start3A_30 : memref<1x104x64xf32, #tpu.memory_space<vmem>> -> memref<104x64xf32, #tpu.memory_space<vmem>>
    %dma_start3A_32 = arith.constant 0 : i32
    %dma_start3A_33 = tpu.memref_slice %arg5[%dma_start3A_26, %dma_start3A_32] : memref<128x200xi32, #tpu.memory_space<vmem>> -> memref<1x104xi32, #tpu.memory_space<vmem>>
    %dma_start3A_34 = tpu.memref_squeeze %dma_start3A_33 : memref<1x104xi32, #tpu.memory_space<vmem>> -> memref<104xi32, #tpu.memory_space<vmem>>
    %dma_start3A_35 = arith.constant 0 : i32
    %dma_start3A_36 = arith.constant 0 : i32
    %dma_start3A_37 = tpu.memref_slice %arg3[%dma_start3A_35, %dma_start3A_36] : memref<1000000x64xf32, #tpu.memory_space<hbm>> -> memref<1000000x64xf32, #tpu.memory_space<hbm>>
    tpu.enqueue_indirect_dma source(%dma_start3A_37 : memref<1000000x64xf32, #tpu.memory_space<hbm>>) target(%dma_start3A_31 : memref<104x64xf32, #tpu.memory_space<vmem>>) offsets(%dma_start3A_34 : memref<104xi32, #tpu.memory_space<vmem>>) semaphore(%arg7 : memref<!tpu.dma_semaphore, #tpu.memory_space<semaphore_mem>>)
    %dma_start3A_38 = arith.constant 1 : i32
    %dma_start3A_39 = arith.constant 0 : i32
    %dma_start3A_40 = arith.constant 304 : i32
    %dma_start3A_41 = arith.constant 0 : i32
    %dma_start3A_42 = tpu.memref_slice %arg6[%dma_start3A_39, %dma_start3A_40, %dma_start3A_41] : memref<2x800x64xf32, #tpu.memory_space<vmem>> -> memref<1x96x64xf32, #tpu.memory_space<vmem>>
    %dma_start3A_43 = tpu.memref_squeeze %dma_start3A_42 : memref<1x96x64xf32, #tpu.memory_space<vmem>> -> memref<96x64xf32, #tpu.memory_space<vmem>>
    %dma_start3A_44 = arith.constant 104 : i32
    %dma_start3A_45 = tpu.memref_slice %arg5[%dma_start3A_38, %dma_start3A_44] : memref<128x200xi32, #tpu.memory_space<vmem>> -> memref<1x96xi32, #tpu.memory_space<vmem>>
    %dma_start3A_46 = tpu.memref_squeeze %dma_start3A_45 : memref<1x96xi32, #tpu.memory_space<vmem>> -> memref<96xi32, #tpu.memory_space<vmem>>
    %dma_start3A_47 = arith.constant 0 : i32
    %dma_start3A_48 = arith.constant 0 : i32
    %dma_start3A_49 = tpu.memref_slice %arg3[%dma_start3A_47, %dma_start3A_48] : memref<1000000x64xf32, #tpu.memory_space<hbm>> -> memref<1000000x64xf32, #tpu.memory_space<hbm>>
    tpu.enqueue_indirect_dma source(%dma_start3A_49 : memref<1000000x64xf32, #tpu.memory_space<hbm>>) target(%dma_start3A_43 : memref<96x64xf32, #tpu.memory_space<vmem>>) offsets(%dma_start3A_46 : memref<96xi32, #tpu.memory_space<vmem>>) semaphore(%arg7 : memref<!tpu.dma_semaphore, #tpu.memory_space<semaphore_mem>>)
    %dma_start3A_50 = arith.constant 2 : i32
    %dma_start3A_51 = arith.constant 0 : i32
    %dma_start3A_52 = arith.constant 400 : i32
    %dma_start3A_53 = arith.constant 0 : i32
    %dma_start3A_54 = tpu.memref_slice %arg6[%dma_start3A_51, %dma_start3A_52, %dma_start3A_53] : memref<2x800x64xf32, #tpu.memory_space<vmem>> -> memref<1x104x64xf32, #tpu.memory_space<vmem>>
    %dma_start3A_55 = tpu.memref_squeeze %dma_start3A_54 : memref<1x104x64xf32, #tpu.memory_space<vmem>> -> memref<104x64xf32, #tpu.memory_space<vmem>>
    %dma_start3A_56 = arith.constant 0 : i32
    %dma_start3A_57 = tpu.memref_slice %arg5[%dma_start3A_50, %dma_start3A_56] : memref<128x200xi32, #tpu.memory_space<vmem>> -> memref<1x104xi32, #tpu.memory_space<vmem>>
    %dma_start3A_58 = tpu.memref_squeeze %dma_start3A_57 : memref<1x104xi32, #tpu.memory_space<vmem>> -> memref<104xi32, #tpu.memory_space<vmem>>
    %dma_start3A_59 = arith.constant 0 : i32
    %dma_start3A_60 = arith.constant 0 : i32
    %dma_start3A_61 = tpu.memref_slice %arg3[%dma_start3A_59, %dma_start3A_60] : memref<1000000x64xf32, #tpu.memory_space<hbm>> -> memref<1000000x64xf32, #tpu.memory_space<hbm>>
    tpu.enqueue_indirect_dma source(%dma_start3A_61 : memref<1000000x64xf32, #tpu.memory_space<hbm>>) target(%dma_start3A_55 : memref<104x64xf32, #tpu.memory_space<vmem>>) offsets(%dma_start3A_58 : memref<104xi32, #tpu.memory_space<vmem>>) semaphore(%arg7 : memref<!tpu.dma_semaphore, #tpu.memory_space<semaphore_mem>>)
    %dma_start3A_62 = arith.constant 2 : i32
    %dma_start3A_63 = arith.constant 0 : i32
    %dma_start3A_64 = arith.constant 504 : i32
    %dma_start3A_65 = arith.constant 0 : i32
    %dma_start3A_66 = tpu.memref_slice %arg6[%dma_start3A_63, %dma_start3A_64, %dma_start3A_65] : memref<2x800x64xf32, #tpu.memory_space<vmem>> -> memref<1x96x64xf32, #tpu.memory_space<vmem>>
    %dma_start3A_67 = tpu.memref_squeeze %dma_start3A_66 : memref<1x96x64xf32, #tpu.memory_space<vmem>> -> memref<96x64xf32, #tpu.memory_space<vmem>>
    %dma_start3A_68 = arith.constant 104 : i32
    %dma_start3A_69 = tpu.memref_slice %arg5[%dma_start3A_62, %dma_start3A_68] : memref<128x200xi32, #tpu.memory_space<vmem>> -> memref<1x96xi32, #tpu.memory_space<vmem>>
    %dma_start3A_70 = tpu.memref_squeeze %dma_start3A_69 : memref<1x96xi32, #tpu.memory_space<vmem>> -> memref<96xi32, #tpu.memory_space<vmem>>
    %dma_start3A_71 = arith.constant 0 : i32
    %dma_start3A_72 = arith.constant 0 : i32
    %dma_start3A_73 = tpu.memref_slice %arg3[%dma_start3A_71, %dma_start3A_72] : memref<1000000x64xf32, #tpu.memory_space<hbm>> -> memref<1000000x64xf32, #tpu.memory_space<hbm>>
    tpu.enqueue_indirect_dma source(%dma_start3A_73 : memref<1000000x64xf32, #tpu.memory_space<hbm>>) target(%dma_start3A_67 : memref<96x64xf32, #tpu.memory_space<vmem>>) offsets(%dma_start3A_70 : memref<96xi32, #tpu.memory_space<vmem>>) semaphore(%arg7 : memref<!tpu.dma_semaphore, #tpu.memory_space<semaphore_mem>>)
    %dma_start3A_74 = arith.constant 3 : i32
    %dma_start3A_75 = arith.constant 0 : i32
    %dma_start3A_76 = arith.constant 600 : i32
    %dma_start3A_77 = arith.constant 0 : i32
    %dma_start3A_78 = tpu.memref_slice %arg6[%dma_start3A_75, %dma_start3A_76, %dma_start3A_77] : memref<2x800x64xf32, #tpu.memory_space<vmem>> -> memref<1x104x64xf32, #tpu.memory_space<vmem>>
    %dma_start3A_79 = tpu.memref_squeeze %dma_start3A_78 : memref<1x104x64xf32, #tpu.memory_space<vmem>> -> memref<104x64xf32, #tpu.memory_space<vmem>>
    %dma_start3A_80 = arith.constant 0 : i32
    %dma_start3A_81 = tpu.memref_slice %arg5[%dma_start3A_74, %dma_start3A_80] : memref<128x200xi32, #tpu.memory_space<vmem>> -> memref<1x104xi32, #tpu.memory_space<vmem>>
    %dma_start3A_82 = tpu.memref_squeeze %dma_start3A_81 : memref<1x104xi32, #tpu.memory_space<vmem>> -> memref<104xi32, #tpu.memory_space<vmem>>
    %dma_start3A_83 = arith.constant 0 : i32
    %dma_start3A_84 = arith.constant 0 : i32
    %dma_start3A_85 = tpu.memref_slice %arg3[%dma_start3A_83, %dma_start3A_84] : memref<1000000x64xf32, #tpu.memory_space<hbm>> -> memref<1000000x64xf32, #tpu.memory_space<hbm>>
    tpu.enqueue_indirect_dma source(%dma_start3A_85 : memref<1000000x64xf32, #tpu.memory_space<hbm>>) target(%dma_start3A_79 : memref<104x64xf32, #tpu.memory_space<vmem>>) offsets(%dma_start3A_82 : memref<104xi32, #tpu.memory_space<vmem>>) semaphore(%arg7 : memref<!tpu.dma_semaphore, #tpu.memory_space<semaphore_mem>>)
    %dma_start3A_86 = arith.constant 3 : i32
    %dma_start3A_87 = arith.constant 0 : i32
    %dma_start3A_88 = arith.constant 704 : i32
    %dma_start3A_89 = arith.constant 0 : i32
    %dma_start3A_90 = tpu.memref_slice %arg6[%dma_start3A_87, %dma_start3A_88, %dma_start3A_89] : memref<2x800x64xf32, #tpu.memory_space<vmem>> -> memref<1x96x64xf32, #tpu.memory_space<vmem>>
    %dma_start3A_91 = tpu.memref_squeeze %dma_start3A_90 : memref<1x96x64xf32, #tpu.memory_space<vmem>> -> memref<96x64xf32, #tpu.memory_space<vmem>>
    %dma_start3A_92 = arith.constant 104 : i32
    %dma_start3A_93 = tpu.memref_slice %arg5[%dma_start3A_86, %dma_start3A_92] : memref<128x200xi32, #tpu.memory_space<vmem>> -> memref<1x96xi32, #tpu.memory_space<vmem>>
    %dma_start3A_94 = tpu.memref_squeeze %dma_start3A_93 : memref<1x96xi32, #tpu.memory_space<vmem>> -> memref<96xi32, #tpu.memory_space<vmem>>
    %dma_start3A_95 = arith.constant 0 : i32
    %dma_start3A_96 = arith.constant 0 : i32
    %dma_start3A_97 = tpu.memref_slice %arg3[%dma_start3A_95, %dma_start3A_96] : memref<1000000x64xf32, #tpu.memory_space<hbm>> -> memref<1000000x64xf32, #tpu.memory_space<hbm>>
    tpu.enqueue_indirect_dma source(%dma_start3A_97 : memref<1000000x64xf32, #tpu.memory_space<hbm>>) target(%dma_start3A_91 : memref<96x64xf32, #tpu.memory_space<vmem>>) offsets(%dma_start3A_94 : memref<96xi32, #tpu.memory_space<vmem>>) semaphore(%arg7 : memref<!tpu.dma_semaphore, #tpu.memory_space<semaphore_mem>>)
    %dma_wait3A = arith.constant 0 : i32
    %dma_wait3A_98 = arith.constant 0 : i32
    %dma_wait3A_99 = arith.constant 0 : i32
    %dma_wait3A_100 = arith.constant 0 : i32
    %dma_wait3A_101 = tpu.memref_slice %arg6[%dma_wait3A_98, %dma_wait3A_99, %dma_wait3A_100] : memref<2x800x64xf32, #tpu.memory_space<vmem>> -> memref<1x104x64xf32, #tpu.memory_space<vmem>>
    %dma_wait3A_102 = tpu.memref_squeeze %dma_wait3A_101 : memref<1x104x64xf32, #tpu.memory_space<vmem>> -> memref<104x64xf32, #tpu.memory_space<vmem>>
    %dma_wait3A_103 = arith.constant 0 : i32
    %dma_wait3A_104 = tpu.memref_slice %arg5[%dma_wait3A, %dma_wait3A_103] : memref<128x200xi32, #tpu.memory_space<vmem>> -> memref<1x104xi32, #tpu.memory_space<vmem>>
    %dma_wait3A_105 = tpu.memref_squeeze %dma_wait3A_104 : memref<1x104xi32, #tpu.memory_space<vmem>> -> memref<104xi32, #tpu.memory_space<vmem>>
    %dma_wait3A_106 = arith.constant 0 : i32
    %dma_wait3A_107 = arith.constant 0 : i32
    %dma_wait3A_108 = tpu.memref_slice %arg3[%dma_wait3A_106, %dma_wait3A_107] : memref<1000000x64xf32, #tpu.memory_space<hbm>> -> memref<1000000x64xf32, #tpu.memory_space<hbm>>
    tpu.wait_indirect_dma semaphore(%arg7 : memref<!tpu.dma_semaphore, #tpu.memory_space<semaphore_mem>>) src(%dma_wait3A_108 : memref<1000000x64xf32, #tpu.memory_space<hbm>>) dst(%dma_wait3A_102 : memref<104x64xf32, #tpu.memory_space<vmem>>)
    %dma_wait3A_109 = arith.constant 0 : i32
    %dma_wait3A_110 = arith.constant 0 : i32
    %dma_wait3A_111 = arith.constant 104 : i32
    %dma_wait3A_112 = arith.constant 0 : i32
    %dma_wait3A_113 = tpu.memref_slice %arg6[%dma_wait3A_110, %dma_wait3A_111, %dma_wait3A_112] : memref<2x800x64xf32, #tpu.memory_space<vmem>> -> memref<1x96x64xf32, #tpu.memory_space<vmem>>
    %dma_wait3A_114 = tpu.memref_squeeze %dma_wait3A_113 : memref<1x96x64xf32, #tpu.memory_space<vmem>> -> memref<96x64xf32, #tpu.memory_space<vmem>>
    %dma_wait3A_115 = arith.constant 104 : i32
    %dma_wait3A_116 = tpu.memref_slice %arg5[%dma_wait3A_109, %dma_wait3A_115] : memref<128x200xi32, #tpu.memory_space<vmem>> -> memref<1x96xi32, #tpu.memory_space<vmem>>
    %dma_wait3A_117 = tpu.memref_squeeze %dma_wait3A_116 : memref<1x96xi32, #tpu.memory_space<vmem>> -> memref<96xi32, #tpu.memory_space<vmem>>
    %dma_wait3A_118 = arith.constant 0 : i32
    %dma_wait3A_119 = arith.constant 0 : i32
    %dma_wait3A_120 = tpu.memref_slice %arg3[%dma_wait3A_118, %dma_wait3A_119] : memref<1000000x64xf32, #tpu.memory_space<hbm>> -> memref<1000000x64xf32, #tpu.memory_space<hbm>>
    tpu.wait_indirect_dma semaphore(%arg7 : memref<!tpu.dma_semaphore, #tpu.memory_space<semaphore_mem>>) src(%dma_wait3A_120 : memref<1000000x64xf32, #tpu.memory_space<hbm>>) dst(%dma_wait3A_114 : memref<96x64xf32, #tpu.memory_space<vmem>>)
    %dma_wait3A_121 = arith.constant 1 : i32
    %dma_wait3A_122 = arith.constant 0 : i32
    %dma_wait3A_123 = arith.constant 200 : i32
    %dma_wait3A_124 = arith.constant 0 : i32
    %dma_wait3A_125 = tpu.memref_slice %arg6[%dma_wait3A_122, %dma_wait3A_123, %dma_wait3A_124] : memref<2x800x64xf32, #tpu.memory_space<vmem>> -> memref<1x104x64xf32, #tpu.memory_space<vmem>>
    %dma_wait3A_126 = tpu.memref_squeeze %dma_wait3A_125 : memref<1x104x64xf32, #tpu.memory_space<vmem>> -> memref<104x64xf32, #tpu.memory_space<vmem>>
    %dma_wait3A_127 = arith.constant 0 : i32
    %dma_wait3A_128 = tpu.memref_slice %arg5[%dma_wait3A_121, %dma_wait3A_127] : memref<128x200xi32, #tpu.memory_space<vmem>> -> memref<1x104xi32, #tpu.memory_space<vmem>>
    %dma_wait3A_129 = tpu.memref_squeeze %dma_wait3A_128 : memref<1x104xi32, #tpu.memory_space<vmem>> -> memref<104xi32, #tpu.memory_space<vmem>>
    %dma_wait3A_130 = arith.constant 0 : i32
    %dma_wait3A_131 = arith.constant 0 : i32
    %dma_wait3A_132 = tpu.memref_slice %arg3[%dma_wait3A_130, %dma_wait3A_131] : memref<1000000x64xf32, #tpu.memory_space<hbm>> -> memref<1000000x64xf32, #tpu.memory_space<hbm>>
    tpu.wait_indirect_dma semaphore(%arg7 : memref<!tpu.dma_semaphore, #tpu.memory_space<semaphore_mem>>) src(%dma_wait3A_132 : memref<1000000x64xf32, #tpu.memory_space<hbm>>) dst(%dma_wait3A_126 : memref<104x64xf32, #tpu.memory_space<vmem>>)
    %dma_wait3A_133 = arith.constant 1 : i32
    %dma_wait3A_134 = arith.constant 0 : i32
    %dma_wait3A_135 = arith.constant 304 : i32
    %dma_wait3A_136 = arith.constant 0 : i32
    %dma_wait3A_137 = tpu.memref_slice %arg6[%dma_wait3A_134, %dma_wait3A_135, %dma_wait3A_136] : memref<2x800x64xf32, #tpu.memory_space<vmem>> -> memref<1x96x64xf32, #tpu.memory_space<vmem>>
    %dma_wait3A_138 = tpu.memref_squeeze %dma_wait3A_137 : memref<1x96x64xf32, #tpu.memory_space<vmem>> -> memref<96x64xf32, #tpu.memory_space<vmem>>
    %dma_wait3A_139 = arith.constant 104 : i32
    %dma_wait3A_140 = tpu.memref_slice %arg5[%dma_wait3A_133, %dma_wait3A_139] : memref<128x200xi32, #tpu.memory_space<vmem>> -> memref<1x96xi32, #tpu.memory_space<vmem>>
    %dma_wait3A_141 = tpu.memref_squeeze %dma_wait3A_140 : memref<1x96xi32, #tpu.memory_space<vmem>> -> memref<96xi32, #tpu.memory_space<vmem>>
    %dma_wait3A_142 = arith.constant 0 : i32
    %dma_wait3A_143 = arith.constant 0 : i32
    %dma_wait3A_144 = tpu.memref_slice %arg3[%dma_wait3A_142, %dma_wait3A_143] : memref<1000000x64xf32, #tpu.memory_space<hbm>> -> memref<1000000x64xf32, #tpu.memory_space<hbm>>
    tpu.wait_indirect_dma semaphore(%arg7 : memref<!tpu.dma_semaphore, #tpu.memory_space<semaphore_mem>>) src(%dma_wait3A_144 : memref<1000000x64xf32, #tpu.memory_space<hbm>>) dst(%dma_wait3A_138 : memref<96x64xf32, #tpu.memory_space<vmem>>)
    %dma_wait3A_145 = arith.constant 2 : i32
    %dma_wait3A_146 = arith.constant 0 : i32
    %dma_wait3A_147 = arith.constant 400 : i32
    %dma_wait3A_148 = arith.constant 0 : i32
    %dma_wait3A_149 = tpu.memref_slice %arg6[%dma_wait3A_146, %dma_wait3A_147, %dma_wait3A_148] : memref<2x800x64xf32, #tpu.memory_space<vmem>> -> memref<1x104x64xf32, #tpu.memory_space<vmem>>
    %dma_wait3A_150 = tpu.memref_squeeze %dma_wait3A_149 : memref<1x104x64xf32, #tpu.memory_space<vmem>> -> memref<104x64xf32, #tpu.memory_space<vmem>>
    %dma_wait3A_151 = arith.constant 0 : i32
    %dma_wait3A_152 = tpu.memref_slice %arg5[%dma_wait3A_145, %dma_wait3A_151] : memref<128x200xi32, #tpu.memory_space<vmem>> -> memref<1x104xi32, #tpu.memory_space<vmem>>
    %dma_wait3A_153 = tpu.memref_squeeze %dma_wait3A_152 : memref<1x104xi32, #tpu.memory_space<vmem>> -> memref<104xi32, #tpu.memory_space<vmem>>
    %dma_wait3A_154 = arith.constant 0 : i32
    %dma_wait3A_155 = arith.constant 0 : i32
    %dma_wait3A_156 = tpu.memref_slice %arg3[%dma_wait3A_154, %dma_wait3A_155] : memref<1000000x64xf32, #tpu.memory_space<hbm>> -> memref<1000000x64xf32, #tpu.memory_space<hbm>>
    tpu.wait_indirect_dma semaphore(%arg7 : memref<!tpu.dma_semaphore, #tpu.memory_space<semaphore_mem>>) src(%dma_wait3A_156 : memref<1000000x64xf32, #tpu.memory_space<hbm>>) dst(%dma_wait3A_150 : memref<104x64xf32, #tpu.memory_space<vmem>>)
    %dma_wait3A_157 = arith.constant 2 : i32
    %dma_wait3A_158 = arith.constant 0 : i32
    %dma_wait3A_159 = arith.constant 504 : i32
    %dma_wait3A_160 = arith.constant 0 : i32
    %dma_wait3A_161 = tpu.memref_slice %arg6[%dma_wait3A_158, %dma_wait3A_159, %dma_wait3A_160] : memref<2x800x64xf32, #tpu.memory_space<vmem>> -> memref<1x96x64xf32, #tpu.memory_space<vmem>>
    %dma_wait3A_162 = tpu.memref_squeeze %dma_wait3A_161 : memref<1x96x64xf32, #tpu.memory_space<vmem>> -> memref<96x64xf32, #tpu.memory_space<vmem>>
    %dma_wait3A_163 = arith.constant 104 : i32
    %dma_wait3A_164 = tpu.memref_slice %arg5[%dma_wait3A_157, %dma_wait3A_163] : memref<128x200xi32, #tpu.memory_space<vmem>> -> memref<1x96xi32, #tpu.memory_space<vmem>>
    %dma_wait3A_165 = tpu.memref_squeeze %dma_wait3A_164 : memref<1x96xi32, #tpu.memory_space<vmem>> -> memref<96xi32, #tpu.memory_space<vmem>>
    %dma_wait3A_166 = arith.constant 0 : i32
    %dma_wait3A_167 = arith.constant 0 : i32
    %dma_wait3A_168 = tpu.memref_slice %arg3[%dma_wait3A_166, %dma_wait3A_167] : memref<1000000x64xf32, #tpu.memory_space<hbm>> -> memref<1000000x64xf32, #tpu.memory_space<hbm>>
    tpu.wait_indirect_dma semaphore(%arg7 : memref<!tpu.dma_semaphore, #tpu.memory_space<semaphore_mem>>) src(%dma_wait3A_168 : memref<1000000x64xf32, #tpu.memory_space<hbm>>) dst(%dma_wait3A_162 : memref<96x64xf32, #tpu.memory_space<vmem>>)
    %dma_wait3A_169 = arith.constant 3 : i32
    %dma_wait3A_170 = arith.constant 0 : i32
    %dma_wait3A_171 = arith.constant 600 : i32
    %dma_wait3A_172 = arith.constant 0 : i32
    %dma_wait3A_173 = tpu.memref_slice %arg6[%dma_wait3A_170, %dma_wait3A_171, %dma_wait3A_172] : memref<2x800x64xf32, #tpu.memory_space<vmem>> -> memref<1x104x64xf32, #tpu.memory_space<vmem>>
    %dma_wait3A_174 = tpu.memref_squeeze %dma_wait3A_173 : memref<1x104x64xf32, #tpu.memory_space<vmem>> -> memref<104x64xf32, #tpu.memory_space<vmem>>
    %dma_wait3A_175 = arith.constant 0 : i32
    %dma_wait3A_176 = tpu.memref_slice %arg5[%dma_wait3A_169, %dma_wait3A_175] : memref<128x200xi32, #tpu.memory_space<vmem>> -> memref<1x104xi32, #tpu.memory_space<vmem>>
    %dma_wait3A_177 = tpu.memref_squeeze %dma_wait3A_176 : memref<1x104xi32, #tpu.memory_space<vmem>> -> memref<104xi32, #tpu.memory_space<vmem>>
    %dma_wait3A_178 = arith.constant 0 : i32
    %dma_wait3A_179 = arith.constant 0 : i32
    %dma_wait3A_180 = tpu.memref_slice %arg3[%dma_wait3A_178, %dma_wait3A_179] : memref<1000000x64xf32, #tpu.memory_space<hbm>> -> memref<1000000x64xf32, #tpu.memory_space<hbm>>
    tpu.wait_indirect_dma semaphore(%arg7 : memref<!tpu.dma_semaphore, #tpu.memory_space<semaphore_mem>>) src(%dma_wait3A_180 : memref<1000000x64xf32, #tpu.memory_space<hbm>>) dst(%dma_wait3A_174 : memref<104x64xf32, #tpu.memory_space<vmem>>)
    %dma_wait3A_181 = arith.constant 3 : i32
    %dma_wait3A_182 = arith.constant 0 : i32
    %dma_wait3A_183 = arith.constant 704 : i32
    %dma_wait3A_184 = arith.constant 0 : i32
    %dma_wait3A_185 = tpu.memref_slice %arg6[%dma_wait3A_182, %dma_wait3A_183, %dma_wait3A_184] : memref<2x800x64xf32, #tpu.memory_space<vmem>> -> memref<1x96x64xf32, #tpu.memory_space<vmem>>
    %dma_wait3A_186 = tpu.memref_squeeze %dma_wait3A_185 : memref<1x96x64xf32, #tpu.memory_space<vmem>> -> memref<96x64xf32, #tpu.memory_space<vmem>>
    %dma_wait3A_187 = arith.constant 104 : i32
    %dma_wait3A_188 = tpu.memref_slice %arg5[%dma_wait3A_181, %dma_wait3A_187] : memref<128x200xi32, #tpu.memory_space<vmem>> -> memref<1x96xi32, #tpu.memory_space<vmem>>
    %dma_wait3A_189 = tpu.memref_squeeze %dma_wait3A_188 : memref<1x96xi32, #tpu.memory_space<vmem>> -> memref<96xi32, #tpu.memory_space<vmem>>
    %dma_wait3A_190 = arith.constant 0 : i32
    %dma_wait3A_191 = arith.constant 0 : i32
    %dma_wait3A_192 = tpu.memref_slice %arg3[%dma_wait3A_190, %dma_wait3A_191] : memref<1000000x64xf32, #tpu.memory_space<hbm>> -> memref<1000000x64xf32, #tpu.memory_space<hbm>>
    tpu.wait_indirect_dma semaphore(%arg7 : memref<!tpu.dma_semaphore, #tpu.memory_space<semaphore_mem>>) src(%dma_wait3A_192 : memref<1000000x64xf32, #tpu.memory_space<hbm>>) dst(%dma_wait3A_186 : memref<96x64xf32, #tpu.memory_space<vmem>>)
    %scan3A = arith.constant 0 : i32
    %scan3A_193 = arith.constant 0 : i32
    %scan3A_194 = arith.constant 15 : i32
    %scan3A_195 = arith.addi %scan3A_193, %scan3A_194 : i32
    %scan3A_196 = arith.constant 1 : i32
    scf.for %scan3A_450 = %scan3A_193 to %scan3A_195 step %scan3A_196  : i32 {
      %mul3A_451 = arith.constant 2 : i32
      %mul3A_452 = arith.muli %mul3A_451, %scan3A_450 : i32
      %add3A_453 = arith.constant 1 : i32
      %add3A_454 = arith.addi %mul3A_452, %add3A_453 : i32
      %mul3A_455 = arith.constant 4 : i32
      %mul3A_456 = arith.muli %add3A_454, %mul3A_455 : i32
      %add3A_457 = arith.constant 0 : i32
      %add3A_458 = arith.addi %mul3A_456, %add3A_457 : i32
      %dma_start3A_459 = arith.constant 1 : i32
      %dma_start3A_460 = arith.constant 0 : i32
      %dma_start3A_461 = arith.constant 0 : i32
      %dma_start3A_462 = tpu.memref_slice %arg6[%dma_start3A_459, %dma_start3A_460, %dma_start3A_461] : memref<2x800x64xf32, #tpu.memory_space<vmem>> -> memref<1x104x64xf32, #tpu.memory_space<vmem>>
      %dma_start3A_463 = tpu.memref_squeeze %dma_start3A_462 : memref<1x104x64xf32, #tpu.memory_space<vmem>> -> memref<104x64xf32, #tpu.memory_space<vmem>>
      %dma_start3A_464 = arith.constant 0 : i32
      %dma_start3A_465 = tpu.memref_slice %arg5[%add3A_458, %dma_start3A_464] : memref<128x200xi32, #tpu.memory_space<vmem>> -> memref<1x104xi32, #tpu.memory_space<vmem>>
      %dma_start3A_466 = tpu.memref_squeeze %dma_start3A_465 : memref<1x104xi32, #tpu.memory_space<vmem>> -> memref<104xi32, #tpu.memory_space<vmem>>
      %dma_start3A_467 = arith.constant 0 : i32
      %dma_start3A_468 = arith.constant 0 : i32
      %dma_start3A_469 = tpu.memref_slice %arg3[%dma_start3A_467, %dma_start3A_468] : memref<1000000x64xf32, #tpu.memory_space<hbm>> -> memref<1000000x64xf32, #tpu.memory_space<hbm>>
      tpu.enqueue_indirect_dma source(%dma_start3A_469 : memref<1000000x64xf32, #tpu.memory_space<hbm>>) target(%dma_start3A_463 : memref<104x64xf32, #tpu.memory_space<vmem>>) offsets(%dma_start3A_466 : memref<104xi32, #tpu.memory_space<vmem>>) semaphore(%arg7 : memref<!tpu.dma_semaphore, #tpu.memory_space<semaphore_mem>>)
      %mul3A_470 = arith.constant 4 : i32
      %mul3A_471 = arith.muli %add3A_454, %mul3A_470 : i32
      %add3A_472 = arith.constant 0 : i32
      %add3A_473 = arith.addi %mul3A_471, %add3A_472 : i32
      %dma_start3A_474 = arith.constant 1 : i32
      %dma_start3A_475 = arith.constant 104 : i32
      %dma_start3A_476 = arith.constant 0 : i32
      %dma_start3A_477 = tpu.memref_slice %arg6[%dma_start3A_474, %dma_start3A_475, %dma_start3A_476] : memref<2x800x64xf32, #tpu.memory_space<vmem>> -> memref<1x96x64xf32, #tpu.memory_space<vmem>>
      %dma_start3A_478 = tpu.memref_squeeze %dma_start3A_477 : memref<1x96x64xf32, #tpu.memory_space<vmem>> -> memref<96x64xf32, #tpu.memory_space<vmem>>
      %dma_start3A_479 = arith.constant 104 : i32
      %dma_start3A_480 = tpu.memref_slice %arg5[%add3A_473, %dma_start3A_479] : memref<128x200xi32, #tpu.memory_space<vmem>> -> memref<1x96xi32, #tpu.memory_space<vmem>>
      %dma_start3A_481 = tpu.memref_squeeze %dma_start3A_480 : memref<1x96xi32, #tpu.memory_space<vmem>> -> memref<96xi32, #tpu.memory_space<vmem>>
      %dma_start3A_482 = arith.constant 0 : i32
      %dma_start3A_483 = arith.constant 0 : i32
      %dma_start3A_484 = tpu.memref_slice %arg3[%dma_start3A_482, %dma_start3A_483] : memref<1000000x64xf32, #tpu.memory_space<hbm>> -> memref<1000000x64xf32, #tpu.memory_space<hbm>>
      tpu.enqueue_indirect_dma source(%dma_start3A_484 : memref<1000000x64xf32, #tpu.memory_space<hbm>>) target(%dma_start3A_478 : memref<96x64xf32, #tpu.memory_space<vmem>>) offsets(%dma_start3A_481 : memref<96xi32, #tpu.memory_space<vmem>>) semaphore(%arg7 : memref<!tpu.dma_semaphore, #tpu.memory_space<semaphore_mem>>)
      %mul3A_485 = arith.constant 4 : i32
      %mul3A_486 = arith.muli %add3A_454, %mul3A_485 : i32
      %add3A_487 = arith.constant 1 : i32
      %add3A_488 = arith.addi %mul3A_486, %add3A_487 : i32
      %dma_start3A_489 = arith.constant 1 : i32
      %dma_start3A_490 = arith.constant 200 : i32
      %dma_start3A_491 = arith.constant 0 : i32
      %dma_start3A_492 = tpu.memref_slice %arg6[%dma_start3A_489, %dma_start3A_490, %dma_start3A_491] : memref<2x800x64xf32, #tpu.memory_space<vmem>> -> memref<1x104x64xf32, #tpu.memory_space<vmem>>
      %dma_start3A_493 = tpu.memref_squeeze %dma_start3A_492 : memref<1x104x64xf32, #tpu.memory_space<vmem>> -> memref<104x64xf32, #tpu.memory_space<vmem>>
      %dma_start3A_494 = arith.constant 0 : i32
      %dma_start3A_495 = tpu.memref_slice %arg5[%add3A_488, %dma_start3A_494] : memref<128x200xi32, #tpu.memory_space<vmem>> -> memref<1x104xi32, #tpu.memory_space<vmem>>
      %dma_start3A_496 = tpu.memref_squeeze %dma_start3A_495 : memref<1x104xi32, #tpu.memory_space<vmem>> -> memref<104xi32, #tpu.memory_space<vmem>>
      %dma_start3A_497 = arith.constant 0 : i32
      %dma_start3A_498 = arith.constant 0 : i32
      %dma_start3A_499 = tpu.memref_slice %arg3[%dma_start3A_497, %dma_start3A_498] : memref<1000000x64xf32, #tpu.memory_space<hbm>> -> memref<1000000x64xf32, #tpu.memory_space<hbm>>
      tpu.enqueue_indirect_dma source(%dma_start3A_499 : memref<1000000x64xf32, #tpu.memory_space<hbm>>) target(%dma_start3A_493 : memref<104x64xf32, #tpu.memory_space<vmem>>) offsets(%dma_start3A_496 : memref<104xi32, #tpu.memory_space<vmem>>) semaphore(%arg7 : memref<!tpu.dma_semaphore, #tpu.memory_space<semaphore_mem>>)
      %mul3A_500 = arith.constant 4 : i32
      %mul3A_501 = arith.muli %add3A_454, %mul3A_500 : i32
      %add3A_502 = arith.constant 1 : i32
      %add3A_503 = arith.addi %mul3A_501, %add3A_502 : i32
      %dma_start3A_504 = arith.constant 1 : i32
      %dma_start3A_505 = arith.constant 304 : i32
      %dma_start3A_506 = arith.constant 0 : i32
      %dma_start3A_507 = tpu.memref_slice %arg6[%dma_start3A_504, %dma_start3A_505, %dma_start3A_506] : memref<2x800x64xf32, #tpu.memory_space<vmem>> -> memref<1x96x64xf32, #tpu.memory_space<vmem>>
      %dma_start3A_508 = tpu.memref_squeeze %dma_start3A_507 : memref<1x96x64xf32, #tpu.memory_space<vmem>> -> memref<96x64xf32, #tpu.memory_space<vmem>>
      %dma_start3A_509 = arith.constant 104 : i32
      %dma_start3A_510 = tpu.memref_slice %arg5[%add3A_503, %dma_start3A_509] : memref<128x200xi32, #tpu.memory_space<vmem>> -> memref<1x96xi32, #tpu.memory_space<vmem>>
      %dma_start3A_511 = tpu.memref_squeeze %dma_start3A_510 : memref<1x96xi32, #tpu.memory_space<vmem>> -> memref<96xi32, #tpu.memory_space<vmem>>
      %dma_start3A_512 = arith.constant 0 : i32
      %dma_start3A_513 = arith.constant 0 : i32
      %dma_start3A_514 = tpu.memref_slice %arg3[%dma_start3A_512, %dma_start3A_513] : memref<1000000x64xf32, #tpu.memory_space<hbm>> -> memref<1000000x64xf32, #tpu.memory_space<hbm>>
      tpu.enqueue_indirect_dma source(%dma_start3A_514 : memref<1000000x64xf32, #tpu.memory_space<hbm>>) target(%dma_start3A_508 : memref<96x64xf32, #tpu.memory_space<vmem>>) offsets(%dma_start3A_511 : memref<96xi32, #tpu.memory_space<vmem>>) semaphore(%arg7 : memref<!tpu.dma_semaphore, #tpu.memory_space<semaphore_mem>>)
      %mul3A_515 = arith.constant 4 : i32
      %mul3A_516 = arith.muli %add3A_454, %mul3A_515 : i32
      %add3A_517 = arith.constant 2 : i32
      %add3A_518 = arith.addi %mul3A_516, %add3A_517 : i32
      %dma_start3A_519 = arith.constant 1 : i32
      %dma_start3A_520 = arith.constant 400 : i32
      %dma_start3A_521 = arith.constant 0 : i32
      %dma_start3A_522 = tpu.memref_slice %arg6[%dma_start3A_519, %dma_start3A_520, %dma_start3A_521] : memref<2x800x64xf32, #tpu.memory_space<vmem>> -> memref<1x104x64xf32, #tpu.memory_space<vmem>>
      %dma_start3A_523 = tpu.memref_squeeze %dma_start3A_522 : memref<1x104x64xf32, #tpu.memory_space<vmem>> -> memref<104x64xf32, #tpu.memory_space<vmem>>
      %dma_start3A_524 = arith.constant 0 : i32
      %dma_start3A_525 = tpu.memref_slice %arg5[%add3A_518, %dma_start3A_524] : memref<128x200xi32, #tpu.memory_space<vmem>> -> memref<1x104xi32, #tpu.memory_space<vmem>>
      %dma_start3A_526 = tpu.memref_squeeze %dma_start3A_525 : memref<1x104xi32, #tpu.memory_space<vmem>> -> memref<104xi32, #tpu.memory_space<vmem>>
      %dma_start3A_527 = arith.constant 0 : i32
      %dma_start3A_528 = arith.constant 0 : i32
      %dma_start3A_529 = tpu.memref_slice %arg3[%dma_start3A_527, %dma_start3A_528] : memref<1000000x64xf32, #tpu.memory_space<hbm>> -> memref<1000000x64xf32, #tpu.memory_space<hbm>>
      tpu.enqueue_indirect_dma source(%dma_start3A_529 : memref<1000000x64xf32, #tpu.memory_space<hbm>>) target(%dma_start3A_523 : memref<104x64xf32, #tpu.memory_space<vmem>>) offsets(%dma_start3A_526 : memref<104xi32, #tpu.memory_space<vmem>>) semaphore(%arg7 : memref<!tpu.dma_semaphore, #tpu.memory_space<semaphore_mem>>)
      %mul3A_530 = arith.constant 4 : i32
      %mul3A_531 = arith.muli %add3A_454, %mul3A_530 : i32
      %add3A_532 = arith.constant 2 : i32
      %add3A_533 = arith.addi %mul3A_531, %add3A_532 : i32
      %dma_start3A_534 = arith.constant 1 : i32
      %dma_start3A_535 = arith.constant 504 : i32
      %dma_start3A_536 = arith.constant 0 : i32
      %dma_start3A_537 = tpu.memref_slice %arg6[%dma_start3A_534, %dma_start3A_535, %dma_start3A_536] : memref<2x800x64xf32, #tpu.memory_space<vmem>> -> memref<1x96x64xf32, #tpu.memory_space<vmem>>
      %dma_start3A_538 = tpu.memref_squeeze %dma_start3A_537 : memref<1x96x64xf32, #tpu.memory_space<vmem>> -> memref<96x64xf32, #tpu.memory_space<vmem>>
      %dma_start3A_539 = arith.constant 104 : i32
      %dma_start3A_540 = tpu.memref_slice %arg5[%add3A_533, %dma_start3A_539] : memref<128x200xi32, #tpu.memory_space<vmem>> -> memref<1x96xi32, #tpu.memory_space<vmem>>
      %dma_start3A_541 = tpu.memref_squeeze %dma_start3A_540 : memref<1x96xi32, #tpu.memory_space<vmem>> -> memref<96xi32, #tpu.memory_space<vmem>>
      %dma_start3A_542 = arith.constant 0 : i32
      %dma_start3A_543 = arith.constant 0 : i32
      %dma_start3A_544 = tpu.memref_slice %arg3[%dma_start3A_542, %dma_start3A_543] : memref<1000000x64xf32, #tpu.memory_space<hbm>> -> memref<1000000x64xf32, #tpu.memory_space<hbm>>
      tpu.enqueue_indirect_dma source(%dma_start3A_544 : memref<1000000x64xf32, #tpu.memory_space<hbm>>) target(%dma_start3A_538 : memref<96x64xf32, #tpu.memory_space<vmem>>) offsets(%dma_start3A_541 : memref<96xi32, #tpu.memory_space<vmem>>) semaphore(%arg7 : memref<!tpu.dma_semaphore, #tpu.memory_space<semaphore_mem>>)
      %mul3A_545 = arith.constant 4 : i32
      %mul3A_546 = arith.muli %add3A_454, %mul3A_545 : i32
      %add3A_547 = arith.constant 3 : i32
      %add3A_548 = arith.addi %mul3A_546, %add3A_547 : i32
      %dma_start3A_549 = arith.constant 1 : i32
      %dma_start3A_550 = arith.constant 600 : i32
      %dma_start3A_551 = arith.constant 0 : i32
      %dma_start3A_552 = tpu.memref_slice %arg6[%dma_start3A_549, %dma_start3A_550, %dma_start3A_551] : memref<2x800x64xf32, #tpu.memory_space<vmem>> -> memref<1x104x64xf32, #tpu.memory_space<vmem>>
      %dma_start3A_553 = tpu.memref_squeeze %dma_start3A_552 : memref<1x104x64xf32, #tpu.memory_space<vmem>> -> memref<104x64xf32, #tpu.memory_space<vmem>>
      %dma_start3A_554 = arith.constant 0 : i32
      %dma_start3A_555 = tpu.memref_slice %arg5[%add3A_548, %dma_start3A_554] : memref<128x200xi32, #tpu.memory_space<vmem>> -> memref<1x104xi32, #tpu.memory_space<vmem>>
      %dma_start3A_556 = tpu.memref_squeeze %dma_start3A_555 : memref<1x104xi32, #tpu.memory_space<vmem>> -> memref<104xi32, #tpu.memory_space<vmem>>
      %dma_start3A_557 = arith.constant 0 : i32
      %dma_start3A_558 = arith.constant 0 : i32
      %dma_start3A_559 = tpu.memref_slice %arg3[%dma_start3A_557, %dma_start3A_558] : memref<1000000x64xf32, #tpu.memory_space<hbm>> -> memref<1000000x64xf32, #tpu.memory_space<hbm>>
      tpu.enqueue_indirect_dma source(%dma_start3A_559 : memref<1000000x64xf32, #tpu.memory_space<hbm>>) target(%dma_start3A_553 : memref<104x64xf32, #tpu.memory_space<vmem>>) offsets(%dma_start3A_556 : memref<104xi32, #tpu.memory_space<vmem>>) semaphore(%arg7 : memref<!tpu.dma_semaphore, #tpu.memory_space<semaphore_mem>>)
      %mul3A_560 = arith.constant 4 : i32
      %mul3A_561 = arith.muli %add3A_454, %mul3A_560 : i32
      %add3A_562 = arith.constant 3 : i32
      %add3A_563 = arith.addi %mul3A_561, %add3A_562 : i32
      %dma_start3A_564 = arith.constant 1 : i32
      %dma_start3A_565 = arith.constant 704 : i32
      %dma_start3A_566 = arith.constant 0 : i32
      %dma_start3A_567 = tpu.memref_slice %arg6[%dma_start3A_564, %dma_start3A_565, %dma_start3A_566] : memref<2x800x64xf32, #tpu.memory_space<vmem>> -> memref<1x96x64xf32, #tpu.memory_space<vmem>>
      %dma_start3A_568 = tpu.memref_squeeze %dma_start3A_567 : memref<1x96x64xf32, #tpu.memory_space<vmem>> -> memref<96x64xf32, #tpu.memory_space<vmem>>
      %dma_start3A_569 = arith.constant 104 : i32
      %dma_start3A_570 = tpu.memref_slice %arg5[%add3A_563, %dma_start3A_569] : memref<128x200xi32, #tpu.memory_space<vmem>> -> memref<1x96xi32, #tpu.memory_space<vmem>>
      %dma_start3A_571 = tpu.memref_squeeze %dma_start3A_570 : memref<1x96xi32, #tpu.memory_space<vmem>> -> memref<96xi32, #tpu.memory_space<vmem>>
      %dma_start3A_572 = arith.constant 0 : i32
      %dma_start3A_573 = arith.constant 0 : i32
      %dma_start3A_574 = tpu.memref_slice %arg3[%dma_start3A_572, %dma_start3A_573] : memref<1000000x64xf32, #tpu.memory_space<hbm>> -> memref<1000000x64xf32, #tpu.memory_space<hbm>>
      tpu.enqueue_indirect_dma source(%dma_start3A_574 : memref<1000000x64xf32, #tpu.memory_space<hbm>>) target(%dma_start3A_568 : memref<96x64xf32, #tpu.memory_space<vmem>>) offsets(%dma_start3A_571 : memref<96xi32, #tpu.memory_space<vmem>>) semaphore(%arg7 : memref<!tpu.dma_semaphore, #tpu.memory_space<semaphore_mem>>)
      %sub3A = arith.constant 1 : i32
      %sub3A_575 = arith.subi %add3A_454, %sub3A : i32
      %mul3A_576 = arith.constant 4 : i32
      %mul3A_577 = arith.muli %sub3A_575, %mul3A_576 : i32
      %add3A_578 = arith.addi %mul3A_2, %mul3A_577 : i32
      %mul3A_579 = arith.constant 200 : i32
      %mul3A_580 = arith.muli %add3A_578, %mul3A_579 : i32
      %dma_start3A_581 = arith.constant 0 : i32
      %dma_start3A_582 = arith.constant 0 : i32
      %dma_start3A_583 = arith.constant 0 : i32
      %dma_start3A_584 = tpu.memref_slice %arg6[%dma_start3A_581, %dma_start3A_582, %dma_start3A_583] : memref<2x800x64xf32, #tpu.memory_space<vmem>> -> memref<1x800x64xf32, #tpu.memory_space<vmem>>
      %dma_start3A_585 = tpu.memref_squeeze %dma_start3A_584 : memref<1x800x64xf32, #tpu.memory_space<vmem>> -> memref<800x64xf32, #tpu.memory_space<vmem>>
      %dma_start3A_586 = arith.constant 0 : i32
      %dma_start3A_587 = tpu.memref_slice %arg4[%mul3A_580, %dma_start3A_586] : memref<819200x64xf32, #tpu.memory_space<hbm>> -> memref<800x64xf32, #tpu.memory_space<hbm>>
      %dma_start3A_588 = arith.constant 0 : i32
      %dma_start3A_589 = tpu.memref_slice %arg4[%mul3A_580, %dma_start3A_588] : memref<819200x64xf32, #tpu.memory_space<hbm>> -> memref<800x64xf32, #tpu.memory_space<hbm>>
      %dma_start3A_590 = arith.constant 0 : i32
      %dma_start3A_591 = arith.constant 0 : i32
      %dma_start3A_592 = tpu.memref_slice %arg6[%dma_start3A_581, %dma_start3A_590, %dma_start3A_591] : memref<2x800x64xf32, #tpu.memory_space<vmem>> -> memref<1x800x64xf32, #tpu.memory_space<vmem>>
      %dma_start3A_593 = tpu.memref_squeeze %dma_start3A_592 : memref<1x800x64xf32, #tpu.memory_space<vmem>> -> memref<800x64xf32, #tpu.memory_space<vmem>>
      tpu.enqueue_dma source(%dma_start3A_593 : memref<800x64xf32, #tpu.memory_space<vmem>>) target(%dma_start3A_589 : memref<800x64xf32, #tpu.memory_space<hbm>>) target_semaphore(%arg8 : memref<!tpu.dma_semaphore, #tpu.memory_space<semaphore_mem>>)
      %dma_wait3A_594 = arith.constant 1 : i32
      %dma_wait3A_595 = arith.constant 0 : i32
      %dma_wait3A_596 = arith.constant 0 : i32
      %dma_wait3A_597 = tpu.memref_slice %arg6[%dma_wait3A_594, %dma_wait3A_595, %dma_wait3A_596] : memref<2x800x64xf32, #tpu.memory_space<vmem>> -> memref<1x104x64xf32, #tpu.memory_space<vmem>>
      %dma_wait3A_598 = tpu.memref_squeeze %dma_wait3A_597 : memref<1x104x64xf32, #tpu.memory_space<vmem>> -> memref<104x64xf32, #tpu.memory_space<vmem>>
      %dma_wait3A_599 = arith.constant 0 : i32
      %dma_wait3A_600 = tpu.memref_slice %arg5[%add3A_458, %dma_wait3A_599] : memref<128x200xi32, #tpu.memory_space<vmem>> -> memref<1x104xi32, #tpu.memory_space<vmem>>
      %dma_wait3A_601 = tpu.memref_squeeze %dma_wait3A_600 : memref<1x104xi32, #tpu.memory_space<vmem>> -> memref<104xi32, #tpu.memory_space<vmem>>
      %dma_wait3A_602 = arith.constant 0 : i32
      %dma_wait3A_603 = arith.constant 0 : i32
      %dma_wait3A_604 = tpu.memref_slice %arg3[%dma_wait3A_602, %dma_wait3A_603] : memref<1000000x64xf32, #tpu.memory_space<hbm>> -> memref<1000000x64xf32, #tpu.memory_space<hbm>>
      tpu.wait_indirect_dma semaphore(%arg7 : memref<!tpu.dma_semaphore, #tpu.memory_space<semaphore_mem>>) src(%dma_wait3A_604 : memref<1000000x64xf32, #tpu.memory_space<hbm>>) dst(%dma_wait3A_598 : memref<104x64xf32, #tpu.memory_space<vmem>>)
      %dma_wait3A_605 = arith.constant 1 : i32
      %dma_wait3A_606 = arith.constant 104 : i32
      %dma_wait3A_607 = arith.constant 0 : i32
      %dma_wait3A_608 = tpu.memref_slice %arg6[%dma_wait3A_605, %dma_wait3A_606, %dma_wait3A_607] : memref<2x800x64xf32, #tpu.memory_space<vmem>> -> memref<1x96x64xf32, #tpu.memory_space<vmem>>
      %dma_wait3A_609 = tpu.memref_squeeze %dma_wait3A_608 : memref<1x96x64xf32, #tpu.memory_space<vmem>> -> memref<96x64xf32, #tpu.memory_space<vmem>>
      %dma_wait3A_610 = arith.constant 104 : i32
      %dma_wait3A_611 = tpu.memref_slice %arg5[%add3A_473, %dma_wait3A_610] : memref<128x200xi32, #tpu.memory_space<vmem>> -> memref<1x96xi32, #tpu.memory_space<vmem>>
      %dma_wait3A_612 = tpu.memref_squeeze %dma_wait3A_611 : memref<1x96xi32, #tpu.memory_space<vmem>> -> memref<96xi32, #tpu.memory_space<vmem>>
      %dma_wait3A_613 = arith.constant 0 : i32
      %dma_wait3A_614 = arith.constant 0 : i32
      %dma_wait3A_615 = tpu.memref_slice %arg3[%dma_wait3A_613, %dma_wait3A_614] : memref<1000000x64xf32, #tpu.memory_space<hbm>> -> memref<1000000x64xf32, #tpu.memory_space<hbm>>
      tpu.wait_indirect_dma semaphore(%arg7 : memref<!tpu.dma_semaphore, #tpu.memory_space<semaphore_mem>>) src(%dma_wait3A_615 : memref<1000000x64xf32, #tpu.memory_space<hbm>>) dst(%dma_wait3A_609 : memref<96x64xf32, #tpu.memory_space<vmem>>)
      %dma_wait3A_616 = arith.constant 1 : i32
      %dma_wait3A_617 = arith.constant 200 : i32
      %dma_wait3A_618 = arith.constant 0 : i32
      %dma_wait3A_619 = tpu.memref_slice %arg6[%dma_wait3A_616, %dma_wait3A_617, %dma_wait3A_618] : memref<2x800x64xf32, #tpu.memory_space<vmem>> -> memref<1x104x64xf32, #tpu.memory_space<vmem>>
      %dma_wait3A_620 = tpu.memref_squeeze %dma_wait3A_619 : memref<1x104x64xf32, #tpu.memory_space<vmem>> -> memref<104x64xf32, #tpu.memory_space<vmem>>
      %dma_wait3A_621 = arith.constant 0 : i32
      %dma_wait3A_622 = tpu.memref_slice %arg5[%add3A_488, %dma_wait3A_621] : memref<128x200xi32, #tpu.memory_space<vmem>> -> memref<1x104xi32, #tpu.memory_space<vmem>>
      %dma_wait3A_623 = tpu.memref_squeeze %dma_wait3A_622 : memref<1x104xi32, #tpu.memory_space<vmem>> -> memref<104xi32, #tpu.memory_space<vmem>>
      %dma_wait3A_624 = arith.constant 0 : i32
      %dma_wait3A_625 = arith.constant 0 : i32
      %dma_wait3A_626 = tpu.memref_slice %arg3[%dma_wait3A_624, %dma_wait3A_625] : memref<1000000x64xf32, #tpu.memory_space<hbm>> -> memref<1000000x64xf32, #tpu.memory_space<hbm>>
      tpu.wait_indirect_dma semaphore(%arg7 : memref<!tpu.dma_semaphore, #tpu.memory_space<semaphore_mem>>) src(%dma_wait3A_626 : memref<1000000x64xf32, #tpu.memory_space<hbm>>) dst(%dma_wait3A_620 : memref<104x64xf32, #tpu.memory_space<vmem>>)
      %dma_wait3A_627 = arith.constant 1 : i32
      %dma_wait3A_628 = arith.constant 304 : i32
      %dma_wait3A_629 = arith.constant 0 : i32
      %dma_wait3A_630 = tpu.memref_slice %arg6[%dma_wait3A_627, %dma_wait3A_628, %dma_wait3A_629] : memref<2x800x64xf32, #tpu.memory_space<vmem>> -> memref<1x96x64xf32, #tpu.memory_space<vmem>>
      %dma_wait3A_631 = tpu.memref_squeeze %dma_wait3A_630 : memref<1x96x64xf32, #tpu.memory_space<vmem>> -> memref<96x64xf32, #tpu.memory_space<vmem>>
      %dma_wait3A_632 = arith.constant 104 : i32
      %dma_wait3A_633 = tpu.memref_slice %arg5[%add3A_503, %dma_wait3A_632] : memref<128x200xi32, #tpu.memory_space<vmem>> -> memref<1x96xi32, #tpu.memory_space<vmem>>
      %dma_wait3A_634 = tpu.memref_squeeze %dma_wait3A_633 : memref<1x96xi32, #tpu.memory_space<vmem>> -> memref<96xi32, #tpu.memory_space<vmem>>
      %dma_wait3A_635 = arith.constant 0 : i32
      %dma_wait3A_636 = arith.constant 0 : i32
      %dma_wait3A_637 = tpu.memref_slice %arg3[%dma_wait3A_635, %dma_wait3A_636] : memref<1000000x64xf32, #tpu.memory_space<hbm>> -> memref<1000000x64xf32, #tpu.memory_space<hbm>>
      tpu.wait_indirect_dma semaphore(%arg7 : memref<!tpu.dma_semaphore, #tpu.memory_space<semaphore_mem>>) src(%dma_wait3A_637 : memref<1000000x64xf32, #tpu.memory_space<hbm>>) dst(%dma_wait3A_631 : memref<96x64xf32, #tpu.memory_space<vmem>>)
      %dma_wait3A_638 = arith.constant 1 : i32
      %dma_wait3A_639 = arith.constant 400 : i32
      %dma_wait3A_640 = arith.constant 0 : i32
      %dma_wait3A_641 = tpu.memref_slice %arg6[%dma_wait3A_638, %dma_wait3A_639, %dma_wait3A_640] : memref<2x800x64xf32, #tpu.memory_space<vmem>> -> memref<1x104x64xf32, #tpu.memory_space<vmem>>
      %dma_wait3A_642 = tpu.memref_squeeze %dma_wait3A_641 : memref<1x104x64xf32, #tpu.memory_space<vmem>> -> memref<104x64xf32, #tpu.memory_space<vmem>>
      %dma_wait3A_643 = arith.constant 0 : i32
      %dma_wait3A_644 = tpu.memref_slice %arg5[%add3A_518, %dma_wait3A_643] : memref<128x200xi32, #tpu.memory_space<vmem>> -> memref<1x104xi32, #tpu.memory_space<vmem>>
      %dma_wait3A_645 = tpu.memref_squeeze %dma_wait3A_644 : memref<1x104xi32, #tpu.memory_space<vmem>> -> memref<104xi32, #tpu.memory_space<vmem>>
      %dma_wait3A_646 = arith.constant 0 : i32
      %dma_wait3A_647 = arith.constant 0 : i32
      %dma_wait3A_648 = tpu.memref_slice %arg3[%dma_wait3A_646, %dma_wait3A_647] : memref<1000000x64xf32, #tpu.memory_space<hbm>> -> memref<1000000x64xf32, #tpu.memory_space<hbm>>
      tpu.wait_indirect_dma semaphore(%arg7 : memref<!tpu.dma_semaphore, #tpu.memory_space<semaphore_mem>>) src(%dma_wait3A_648 : memref<1000000x64xf32, #tpu.memory_space<hbm>>) dst(%dma_wait3A_642 : memref<104x64xf32, #tpu.memory_space<vmem>>)
      %dma_wait3A_649 = arith.constant 1 : i32
      %dma_wait3A_650 = arith.constant 504 : i32
      %dma_wait3A_651 = arith.constant 0 : i32
      %dma_wait3A_652 = tpu.memref_slice %arg6[%dma_wait3A_649, %dma_wait3A_650, %dma_wait3A_651] : memref<2x800x64xf32, #tpu.memory_space<vmem>> -> memref<1x96x64xf32, #tpu.memory_space<vmem>>
      %dma_wait3A_653 = tpu.memref_squeeze %dma_wait3A_652 : memref<1x96x64xf32, #tpu.memory_space<vmem>> -> memref<96x64xf32, #tpu.memory_space<vmem>>
      %dma_wait3A_654 = arith.constant 104 : i32
      %dma_wait3A_655 = tpu.memref_slice %arg5[%add3A_533, %dma_wait3A_654] : memref<128x200xi32, #tpu.memory_space<vmem>> -> memref<1x96xi32, #tpu.memory_space<vmem>>
      %dma_wait3A_656 = tpu.memref_squeeze %dma_wait3A_655 : memref<1x96xi32, #tpu.memory_space<vmem>> -> memref<96xi32, #tpu.memory_space<vmem>>
      %dma_wait3A_657 = arith.constant 0 : i32
      %dma_wait3A_658 = arith.constant 0 : i32
      %dma_wait3A_659 = tpu.memref_slice %arg3[%dma_wait3A_657, %dma_wait3A_658] : memref<1000000x64xf32, #tpu.memory_space<hbm>> -> memref<1000000x64xf32, #tpu.memory_space<hbm>>
      tpu.wait_indirect_dma semaphore(%arg7 : memref<!tpu.dma_semaphore, #tpu.memory_space<semaphore_mem>>) src(%dma_wait3A_659 : memref<1000000x64xf32, #tpu.memory_space<hbm>>) dst(%dma_wait3A_653 : memref<96x64xf32, #tpu.memory_space<vmem>>)
      %dma_wait3A_660 = arith.constant 1 : i32
      %dma_wait3A_661 = arith.constant 600 : i32
      %dma_wait3A_662 = arith.constant 0 : i32
      %dma_wait3A_663 = tpu.memref_slice %arg6[%dma_wait3A_660, %dma_wait3A_661, %dma_wait3A_662] : memref<2x800x64xf32, #tpu.memory_space<vmem>> -> memref<1x104x64xf32, #tpu.memory_space<vmem>>
      %dma_wait3A_664 = tpu.memref_squeeze %dma_wait3A_663 : memref<1x104x64xf32, #tpu.memory_space<vmem>> -> memref<104x64xf32, #tpu.memory_space<vmem>>
      %dma_wait3A_665 = arith.constant 0 : i32
      %dma_wait3A_666 = tpu.memref_slice %arg5[%add3A_548, %dma_wait3A_665] : memref<128x200xi32, #tpu.memory_space<vmem>> -> memref<1x104xi32, #tpu.memory_space<vmem>>
      %dma_wait3A_667 = tpu.memref_squeeze %dma_wait3A_666 : memref<1x104xi32, #tpu.memory_space<vmem>> -> memref<104xi32, #tpu.memory_space<vmem>>
      %dma_wait3A_668 = arith.constant 0 : i32
      %dma_wait3A_669 = arith.constant 0 : i32
      %dma_wait3A_670 = tpu.memref_slice %arg3[%dma_wait3A_668, %dma_wait3A_669] : memref<1000000x64xf32, #tpu.memory_space<hbm>> -> memref<1000000x64xf32, #tpu.memory_space<hbm>>
      tpu.wait_indirect_dma semaphore(%arg7 : memref<!tpu.dma_semaphore, #tpu.memory_space<semaphore_mem>>) src(%dma_wait3A_670 : memref<1000000x64xf32, #tpu.memory_space<hbm>>) dst(%dma_wait3A_664 : memref<104x64xf32, #tpu.memory_space<vmem>>)
      %dma_wait3A_671 = arith.constant 1 : i32
      %dma_wait3A_672 = arith.constant 704 : i32
      %dma_wait3A_673 = arith.constant 0 : i32
      %dma_wait3A_674 = tpu.memref_slice %arg6[%dma_wait3A_671, %dma_wait3A_672, %dma_wait3A_673] : memref<2x800x64xf32, #tpu.memory_space<vmem>> -> memref<1x96x64xf32, #tpu.memory_space<vmem>>
      %dma_wait3A_675 = tpu.memref_squeeze %dma_wait3A_674 : memref<1x96x64xf32, #tpu.memory_space<vmem>> -> memref<96x64xf32, #tpu.memory_space<vmem>>
      %dma_wait3A_676 = arith.constant 104 : i32
      %dma_wait3A_677 = tpu.memref_slice %arg5[%add3A_563, %dma_wait3A_676] : memref<128x200xi32, #tpu.memory_space<vmem>> -> memref<1x96xi32, #tpu.memory_space<vmem>>
      %dma_wait3A_678 = tpu.memref_squeeze %dma_wait3A_677 : memref<1x96xi32, #tpu.memory_space<vmem>> -> memref<96xi32, #tpu.memory_space<vmem>>
      %dma_wait3A_679 = arith.constant 0 : i32
      %dma_wait3A_680 = arith.constant 0 : i32
      %dma_wait3A_681 = tpu.memref_slice %arg3[%dma_wait3A_679, %dma_wait3A_680] : memref<1000000x64xf32, #tpu.memory_space<hbm>> -> memref<1000000x64xf32, #tpu.memory_space<hbm>>
      tpu.wait_indirect_dma semaphore(%arg7 : memref<!tpu.dma_semaphore, #tpu.memory_space<semaphore_mem>>) src(%dma_wait3A_681 : memref<1000000x64xf32, #tpu.memory_space<hbm>>) dst(%dma_wait3A_675 : memref<96x64xf32, #tpu.memory_space<vmem>>)
      %dma_wait3A_682 = arith.constant 0 : i32
      %dma_wait3A_683 = arith.constant 0 : i32
      %dma_wait3A_684 = arith.constant 0 : i32
      %dma_wait3A_685 = tpu.memref_slice %arg6[%dma_wait3A_682, %dma_wait3A_683, %dma_wait3A_684] : memref<2x800x64xf32, #tpu.memory_space<vmem>> -> memref<1x800x64xf32, #tpu.memory_space<vmem>>
      %dma_wait3A_686 = tpu.memref_squeeze %dma_wait3A_685 : memref<1x800x64xf32, #tpu.memory_space<vmem>> -> memref<800x64xf32, #tpu.memory_space<vmem>>
      %dma_wait3A_687 = arith.constant 0 : i32
      %dma_wait3A_688 = tpu.memref_slice %arg4[%mul3A_580, %dma_wait3A_687] : memref<819200x64xf32, #tpu.memory_space<hbm>> -> memref<800x64xf32, #tpu.memory_space<hbm>>
      %dma_wait3A_689 = arith.constant 0 : i32
      %dma_wait3A_690 = tpu.memref_slice %arg4[%mul3A_580, %dma_wait3A_689] : memref<819200x64xf32, #tpu.memory_space<hbm>> -> memref<800x64xf32, #tpu.memory_space<hbm>>
      %dma_wait3A_691 = arith.constant 0 : i32
      %dma_wait3A_692 = arith.constant 0 : i32
      %dma_wait3A_693 = tpu.memref_slice %arg6[%dma_wait3A_682, %dma_wait3A_691, %dma_wait3A_692] : memref<2x800x64xf32, #tpu.memory_space<vmem>> -> memref<1x800x64xf32, #tpu.memory_space<vmem>>
      %dma_wait3A_694 = tpu.memref_squeeze %dma_wait3A_693 : memref<1x800x64xf32, #tpu.memory_space<vmem>> -> memref<800x64xf32, #tpu.memory_space<vmem>>
      tpu.wait_dma2 semaphore(%arg8 : memref<!tpu.dma_semaphore, #tpu.memory_space<semaphore_mem>>) src(%dma_wait3A_694 : memref<800x64xf32, #tpu.memory_space<vmem>>) dst(%dma_wait3A_690 : memref<800x64xf32, #tpu.memory_space<hbm>>)
      %mul3A_695 = arith.constant 2 : i32
      %mul3A_696 = arith.muli %mul3A_695, %scan3A_450 : i32
      %add3A_697 = arith.constant 2 : i32
      %add3A_698 = arith.addi %mul3A_696, %add3A_697 : i32
      %mul3A_699 = arith.constant 4 : i32
      %mul3A_700 = arith.muli %add3A_698, %mul3A_699 : i32
      %add3A_701 = arith.constant 0 : i32
      %add3A_702 = arith.addi %mul3A_700, %add3A_701 : i32
      %dma_start3A_703 = arith.constant 0 : i32
      %dma_start3A_704 = arith.constant 0 : i32
      %dma_start3A_705 = arith.constant 0 : i32
      %dma_start3A_706 = tpu.memref_slice %arg6[%dma_start3A_703, %dma_start3A_704, %dma_start3A_705] : memref<2x800x64xf32, #tpu.memory_space<vmem>> -> memref<1x104x64xf32, #tpu.memory_space<vmem>>
      %dma_start3A_707 = tpu.memref_squeeze %dma_start3A_706 : memref<1x104x64xf32, #tpu.memory_space<vmem>> -> memref<104x64xf32, #tpu.memory_space<vmem>>
      %dma_start3A_708 = arith.constant 0 : i32
      %dma_start3A_709 = tpu.memref_slice %arg5[%add3A_702, %dma_start3A_708] : memref<128x200xi32, #tpu.memory_space<vmem>> -> memref<1x104xi32, #tpu.memory_space<vmem>>
      %dma_start3A_710 = tpu.memref_squeeze %dma_start3A_709 : memref<1x104xi32, #tpu.memory_space<vmem>> -> memref<104xi32, #tpu.memory_space<vmem>>
      %dma_start3A_711 = arith.constant 0 : i32
      %dma_start3A_712 = arith.constant 0 : i32
      %dma_start3A_713 = tpu.memref_slice %arg3[%dma_start3A_711, %dma_start3A_712] : memref<1000000x64xf32, #tpu.memory_space<hbm>> -> memref<1000000x64xf32, #tpu.memory_space<hbm>>
      tpu.enqueue_indirect_dma source(%dma_start3A_713 : memref<1000000x64xf32, #tpu.memory_space<hbm>>) target(%dma_start3A_707 : memref<104x64xf32, #tpu.memory_space<vmem>>) offsets(%dma_start3A_710 : memref<104xi32, #tpu.memory_space<vmem>>) semaphore(%arg7 : memref<!tpu.dma_semaphore, #tpu.memory_space<semaphore_mem>>)
      %mul3A_714 = arith.constant 4 : i32
      %mul3A_715 = arith.muli %add3A_698, %mul3A_714 : i32
      %add3A_716 = arith.constant 0 : i32
      %add3A_717 = arith.addi %mul3A_715, %add3A_716 : i32
      %dma_start3A_718 = arith.constant 0 : i32
      %dma_start3A_719 = arith.constant 104 : i32
      %dma_start3A_720 = arith.constant 0 : i32
      %dma_start3A_721 = tpu.memref_slice %arg6[%dma_start3A_718, %dma_start3A_719, %dma_start3A_720] : memref<2x800x64xf32, #tpu.memory_space<vmem>> -> memref<1x96x64xf32, #tpu.memory_space<vmem>>
      %dma_start3A_722 = tpu.memref_squeeze %dma_start3A_721 : memref<1x96x64xf32, #tpu.memory_space<vmem>> -> memref<96x64xf32, #tpu.memory_space<vmem>>
      %dma_start3A_723 = arith.constant 104 : i32
      %dma_start3A_724 = tpu.memref_slice %arg5[%add3A_717, %dma_start3A_723] : memref<128x200xi32, #tpu.memory_space<vmem>> -> memref<1x96xi32, #tpu.memory_space<vmem>>
      %dma_start3A_725 = tpu.memref_squeeze %dma_start3A_724 : memref<1x96xi32, #tpu.memory_space<vmem>> -> memref<96xi32, #tpu.memory_space<vmem>>
      %dma_start3A_726 = arith.constant 0 : i32
      %dma_start3A_727 = arith.constant 0 : i32
      %dma_start3A_728 = tpu.memref_slice %arg3[%dma_start3A_726, %dma_start3A_727] : memref<1000000x64xf32, #tpu.memory_space<hbm>> -> memref<1000000x64xf32, #tpu.memory_space<hbm>>
      tpu.enqueue_indirect_dma source(%dma_start3A_728 : memref<1000000x64xf32, #tpu.memory_space<hbm>>) target(%dma_start3A_722 : memref<96x64xf32, #tpu.memory_space<vmem>>) offsets(%dma_start3A_725 : memref<96xi32, #tpu.memory_space<vmem>>) semaphore(%arg7 : memref<!tpu.dma_semaphore, #tpu.memory_space<semaphore_mem>>)
      %mul3A_729 = arith.constant 4 : i32
      %mul3A_730 = arith.muli %add3A_698, %mul3A_729 : i32
      %add3A_731 = arith.constant 1 : i32
      %add3A_732 = arith.addi %mul3A_730, %add3A_731 : i32
      %dma_start3A_733 = arith.constant 0 : i32
      %dma_start3A_734 = arith.constant 200 : i32
      %dma_start3A_735 = arith.constant 0 : i32
      %dma_start3A_736 = tpu.memref_slice %arg6[%dma_start3A_733, %dma_start3A_734, %dma_start3A_735] : memref<2x800x64xf32, #tpu.memory_space<vmem>> -> memref<1x104x64xf32, #tpu.memory_space<vmem>>
      %dma_start3A_737 = tpu.memref_squeeze %dma_start3A_736 : memref<1x104x64xf32, #tpu.memory_space<vmem>> -> memref<104x64xf32, #tpu.memory_space<vmem>>
      %dma_start3A_738 = arith.constant 0 : i32
      %dma_start3A_739 = tpu.memref_slice %arg5[%add3A_732, %dma_start3A_738] : memref<128x200xi32, #tpu.memory_space<vmem>> -> memref<1x104xi32, #tpu.memory_space<vmem>>
      %dma_start3A_740 = tpu.memref_squeeze %dma_start3A_739 : memref<1x104xi32, #tpu.memory_space<vmem>> -> memref<104xi32, #tpu.memory_space<vmem>>
      %dma_start3A_741 = arith.constant 0 : i32
      %dma_start3A_742 = arith.constant 0 : i32
      %dma_start3A_743 = tpu.memref_slice %arg3[%dma_start3A_741, %dma_start3A_742] : memref<1000000x64xf32, #tpu.memory_space<hbm>> -> memref<1000000x64xf32, #tpu.memory_space<hbm>>
      tpu.enqueue_indirect_dma source(%dma_start3A_743 : memref<1000000x64xf32, #tpu.memory_space<hbm>>) target(%dma_start3A_737 : memref<104x64xf32, #tpu.memory_space<vmem>>) offsets(%dma_start3A_740 : memref<104xi32, #tpu.memory_space<vmem>>) semaphore(%arg7 : memref<!tpu.dma_semaphore, #tpu.memory_space<semaphore_mem>>)
      %mul3A_744 = arith.constant 4 : i32
      %mul3A_745 = arith.muli %add3A_698, %mul3A_744 : i32
      %add3A_746 = arith.constant 1 : i32
      %add3A_747 = arith.addi %mul3A_745, %add3A_746 : i32
      %dma_start3A_748 = arith.constant 0 : i32
      %dma_start3A_749 = arith.constant 304 : i32
      %dma_start3A_750 = arith.constant 0 : i32
      %dma_start3A_751 = tpu.memref_slice %arg6[%dma_start3A_748, %dma_start3A_749, %dma_start3A_750] : memref<2x800x64xf32, #tpu.memory_space<vmem>> -> memref<1x96x64xf32, #tpu.memory_space<vmem>>
      %dma_start3A_752 = tpu.memref_squeeze %dma_start3A_751 : memref<1x96x64xf32, #tpu.memory_space<vmem>> -> memref<96x64xf32, #tpu.memory_space<vmem>>
      %dma_start3A_753 = arith.constant 104 : i32
      %dma_start3A_754 = tpu.memref_slice %arg5[%add3A_747, %dma_start3A_753] : memref<128x200xi32, #tpu.memory_space<vmem>> -> memref<1x96xi32, #tpu.memory_space<vmem>>
      %dma_start3A_755 = tpu.memref_squeeze %dma_start3A_754 : memref<1x96xi32, #tpu.memory_space<vmem>> -> memref<96xi32, #tpu.memory_space<vmem>>
      %dma_start3A_756 = arith.constant 0 : i32
      %dma_start3A_757 = arith.constant 0 : i32
      %dma_start3A_758 = tpu.memref_slice %arg3[%dma_start3A_756, %dma_start3A_757] : memref<1000000x64xf32, #tpu.memory_space<hbm>> -> memref<1000000x64xf32, #tpu.memory_space<hbm>>
      tpu.enqueue_indirect_dma source(%dma_start3A_758 : memref<1000000x64xf32, #tpu.memory_space<hbm>>) target(%dma_start3A_752 : memref<96x64xf32, #tpu.memory_space<vmem>>) offsets(%dma_start3A_755 : memref<96xi32, #tpu.memory_space<vmem>>) semaphore(%arg7 : memref<!tpu.dma_semaphore, #tpu.memory_space<semaphore_mem>>)
      %mul3A_759 = arith.constant 4 : i32
      %mul3A_760 = arith.muli %add3A_698, %mul3A_759 : i32
      %add3A_761 = arith.constant 2 : i32
      %add3A_762 = arith.addi %mul3A_760, %add3A_761 : i32
      %dma_start3A_763 = arith.constant 0 : i32
      %dma_start3A_764 = arith.constant 400 : i32
      %dma_start3A_765 = arith.constant 0 : i32
      %dma_start3A_766 = tpu.memref_slice %arg6[%dma_start3A_763, %dma_start3A_764, %dma_start3A_765] : memref<2x800x64xf32, #tpu.memory_space<vmem>> -> memref<1x104x64xf32, #tpu.memory_space<vmem>>
      %dma_start3A_767 = tpu.memref_squeeze %dma_start3A_766 : memref<1x104x64xf32, #tpu.memory_space<vmem>> -> memref<104x64xf32, #tpu.memory_space<vmem>>
      %dma_start3A_768 = arith.constant 0 : i32
      %dma_start3A_769 = tpu.memref_slice %arg5[%add3A_762, %dma_start3A_768] : memref<128x200xi32, #tpu.memory_space<vmem>> -> memref<1x104xi32, #tpu.memory_space<vmem>>
      %dma_start3A_770 = tpu.memref_squeeze %dma_start3A_769 : memref<1x104xi32, #tpu.memory_space<vmem>> -> memref<104xi32, #tpu.memory_space<vmem>>
      %dma_start3A_771 = arith.constant 0 : i32
      %dma_start3A_772 = arith.constant 0 : i32
      %dma_start3A_773 = tpu.memref_slice %arg3[%dma_start3A_771, %dma_start3A_772] : memref<1000000x64xf32, #tpu.memory_space<hbm>> -> memref<1000000x64xf32, #tpu.memory_space<hbm>>
      tpu.enqueue_indirect_dma source(%dma_start3A_773 : memref<1000000x64xf32, #tpu.memory_space<hbm>>) target(%dma_start3A_767 : memref<104x64xf32, #tpu.memory_space<vmem>>) offsets(%dma_start3A_770 : memref<104xi32, #tpu.memory_space<vmem>>) semaphore(%arg7 : memref<!tpu.dma_semaphore, #tpu.memory_space<semaphore_mem>>)
      %mul3A_774 = arith.constant 4 : i32
      %mul3A_775 = arith.muli %add3A_698, %mul3A_774 : i32
      %add3A_776 = arith.constant 2 : i32
      %add3A_777 = arith.addi %mul3A_775, %add3A_776 : i32
      %dma_start3A_778 = arith.constant 0 : i32
      %dma_start3A_779 = arith.constant 504 : i32
      %dma_start3A_780 = arith.constant 0 : i32
      %dma_start3A_781 = tpu.memref_slice %arg6[%dma_start3A_778, %dma_start3A_779, %dma_start3A_780] : memref<2x800x64xf32, #tpu.memory_space<vmem>> -> memref<1x96x64xf32, #tpu.memory_space<vmem>>
      %dma_start3A_782 = tpu.memref_squeeze %dma_start3A_781 : memref<1x96x64xf32, #tpu.memory_space<vmem>> -> memref<96x64xf32, #tpu.memory_space<vmem>>
      %dma_start3A_783 = arith.constant 104 : i32
      %dma_start3A_784 = tpu.memref_slice %arg5[%add3A_777, %dma_start3A_783] : memref<128x200xi32, #tpu.memory_space<vmem>> -> memref<1x96xi32, #tpu.memory_space<vmem>>
      %dma_start3A_785 = tpu.memref_squeeze %dma_start3A_784 : memref<1x96xi32, #tpu.memory_space<vmem>> -> memref<96xi32, #tpu.memory_space<vmem>>
      %dma_start3A_786 = arith.constant 0 : i32
      %dma_start3A_787 = arith.constant 0 : i32
      %dma_start3A_788 = tpu.memref_slice %arg3[%dma_start3A_786, %dma_start3A_787] : memref<1000000x64xf32, #tpu.memory_space<hbm>> -> memref<1000000x64xf32, #tpu.memory_space<hbm>>
      tpu.enqueue_indirect_dma source(%dma_start3A_788 : memref<1000000x64xf32, #tpu.memory_space<hbm>>) target(%dma_start3A_782 : memref<96x64xf32, #tpu.memory_space<vmem>>) offsets(%dma_start3A_785 : memref<96xi32, #tpu.memory_space<vmem>>) semaphore(%arg7 : memref<!tpu.dma_semaphore, #tpu.memory_space<semaphore_mem>>)
      %mul3A_789 = arith.constant 4 : i32
      %mul3A_790 = arith.muli %add3A_698, %mul3A_789 : i32
      %add3A_791 = arith.constant 3 : i32
      %add3A_792 = arith.addi %mul3A_790, %add3A_791 : i32
      %dma_start3A_793 = arith.constant 0 : i32
      %dma_start3A_794 = arith.constant 600 : i32
      %dma_start3A_795 = arith.constant 0 : i32
      %dma_start3A_796 = tpu.memref_slice %arg6[%dma_start3A_793, %dma_start3A_794, %dma_start3A_795] : memref<2x800x64xf32, #tpu.memory_space<vmem>> -> memref<1x104x64xf32, #tpu.memory_space<vmem>>
      %dma_start3A_797 = tpu.memref_squeeze %dma_start3A_796 : memref<1x104x64xf32, #tpu.memory_space<vmem>> -> memref<104x64xf32, #tpu.memory_space<vmem>>
      %dma_start3A_798 = arith.constant 0 : i32
      %dma_start3A_799 = tpu.memref_slice %arg5[%add3A_792, %dma_start3A_798] : memref<128x200xi32, #tpu.memory_space<vmem>> -> memref<1x104xi32, #tpu.memory_space<vmem>>
      %dma_start3A_800 = tpu.memref_squeeze %dma_start3A_799 : memref<1x104xi32, #tpu.memory_space<vmem>> -> memref<104xi32, #tpu.memory_space<vmem>>
      %dma_start3A_801 = arith.constant 0 : i32
      %dma_start3A_802 = arith.constant 0 : i32
      %dma_start3A_803 = tpu.memref_slice %arg3[%dma_start3A_801, %dma_start3A_802] : memref<1000000x64xf32, #tpu.memory_space<hbm>> -> memref<1000000x64xf32, #tpu.memory_space<hbm>>
      tpu.enqueue_indirect_dma source(%dma_start3A_803 : memref<1000000x64xf32, #tpu.memory_space<hbm>>) target(%dma_start3A_797 : memref<104x64xf32, #tpu.memory_space<vmem>>) offsets(%dma_start3A_800 : memref<104xi32, #tpu.memory_space<vmem>>) semaphore(%arg7 : memref<!tpu.dma_semaphore, #tpu.memory_space<semaphore_mem>>)
      %mul3A_804 = arith.constant 4 : i32
      %mul3A_805 = arith.muli %add3A_698, %mul3A_804 : i32
      %add3A_806 = arith.constant 3 : i32
      %add3A_807 = arith.addi %mul3A_805, %add3A_806 : i32
      %dma_start3A_808 = arith.constant 0 : i32
      %dma_start3A_809 = arith.constant 704 : i32
      %dma_start3A_810 = arith.constant 0 : i32
      %dma_start3A_811 = tpu.memref_slice %arg6[%dma_start3A_808, %dma_start3A_809, %dma_start3A_810] : memref<2x800x64xf32, #tpu.memory_space<vmem>> -> memref<1x96x64xf32, #tpu.memory_space<vmem>>
      %dma_start3A_812 = tpu.memref_squeeze %dma_start3A_811 : memref<1x96x64xf32, #tpu.memory_space<vmem>> -> memref<96x64xf32, #tpu.memory_space<vmem>>
      %dma_start3A_813 = arith.constant 104 : i32
      %dma_start3A_814 = tpu.memref_slice %arg5[%add3A_807, %dma_start3A_813] : memref<128x200xi32, #tpu.memory_space<vmem>> -> memref<1x96xi32, #tpu.memory_space<vmem>>
      %dma_start3A_815 = tpu.memref_squeeze %dma_start3A_814 : memref<1x96xi32, #tpu.memory_space<vmem>> -> memref<96xi32, #tpu.memory_space<vmem>>
      %dma_start3A_816 = arith.constant 0 : i32
      %dma_start3A_817 = arith.constant 0 : i32
      %dma_start3A_818 = tpu.memref_slice %arg3[%dma_start3A_816, %dma_start3A_817] : memref<1000000x64xf32, #tpu.memory_space<hbm>> -> memref<1000000x64xf32, #tpu.memory_space<hbm>>
      tpu.enqueue_indirect_dma source(%dma_start3A_818 : memref<1000000x64xf32, #tpu.memory_space<hbm>>) target(%dma_start3A_812 : memref<96x64xf32, #tpu.memory_space<vmem>>) offsets(%dma_start3A_815 : memref<96xi32, #tpu.memory_space<vmem>>) semaphore(%arg7 : memref<!tpu.dma_semaphore, #tpu.memory_space<semaphore_mem>>)
      %sub3A_819 = arith.constant 1 : i32
      %sub3A_820 = arith.subi %add3A_698, %sub3A_819 : i32
      %mul3A_821 = arith.constant 4 : i32
      %mul3A_822 = arith.muli %sub3A_820, %mul3A_821 : i32
      %add3A_823 = arith.addi %mul3A_2, %mul3A_822 : i32
      %mul3A_824 = arith.constant 200 : i32
      %mul3A_825 = arith.muli %add3A_823, %mul3A_824 : i32
      %dma_start3A_826 = arith.constant 1 : i32
      %dma_start3A_827 = arith.constant 0 : i32
      %dma_start3A_828 = arith.constant 0 : i32
      %dma_start3A_829 = tpu.memref_slice %arg6[%dma_start3A_826, %dma_start3A_827, %dma_start3A_828] : memref<2x800x64xf32, #tpu.memory_space<vmem>> -> memref<1x800x64xf32, #tpu.memory_space<vmem>>
      %dma_start3A_830 = tpu.memref_squeeze %dma_start3A_829 : memref<1x800x64xf32, #tpu.memory_space<vmem>> -> memref<800x64xf32, #tpu.memory_space<vmem>>
      %dma_start3A_831 = arith.constant 0 : i32
      %dma_start3A_832 = tpu.memref_slice %arg4[%mul3A_825, %dma_start3A_831] : memref<819200x64xf32, #tpu.memory_space<hbm>> -> memref<800x64xf32, #tpu.memory_space<hbm>>
      %dma_start3A_833 = arith.constant 0 : i32
      %dma_start3A_834 = tpu.memref_slice %arg4[%mul3A_825, %dma_start3A_833] : memref<819200x64xf32, #tpu.memory_space<hbm>> -> memref<800x64xf32, #tpu.memory_space<hbm>>
      %dma_start3A_835 = arith.constant 0 : i32
      %dma_start3A_836 = arith.constant 0 : i32
      %dma_start3A_837 = tpu.memref_slice %arg6[%dma_start3A_826, %dma_start3A_835, %dma_start3A_836] : memref<2x800x64xf32, #tpu.memory_space<vmem>> -> memref<1x800x64xf32, #tpu.memory_space<vmem>>
      %dma_start3A_838 = tpu.memref_squeeze %dma_start3A_837 : memref<1x800x64xf32, #tpu.memory_space<vmem>> -> memref<800x64xf32, #tpu.memory_space<vmem>>
      tpu.enqueue_dma source(%dma_start3A_838 : memref<800x64xf32, #tpu.memory_space<vmem>>) target(%dma_start3A_834 : memref<800x64xf32, #tpu.memory_space<hbm>>) target_semaphore(%arg8 : memref<!tpu.dma_semaphore, #tpu.memory_space<semaphore_mem>>)
      %dma_wait3A_839 = arith.constant 0 : i32
      %dma_wait3A_840 = arith.constant 0 : i32
      %dma_wait3A_841 = arith.constant 0 : i32
      %dma_wait3A_842 = tpu.memref_slice %arg6[%dma_wait3A_839, %dma_wait3A_840, %dma_wait3A_841] : memref<2x800x64xf32, #tpu.memory_space<vmem>> -> memref<1x104x64xf32, #tpu.memory_space<vmem>>
      %dma_wait3A_843 = tpu.memref_squeeze %dma_wait3A_842 : memref<1x104x64xf32, #tpu.memory_space<vmem>> -> memref<104x64xf32, #tpu.memory_space<vmem>>
      %dma_wait3A_844 = arith.constant 0 : i32
      %dma_wait3A_845 = tpu.memref_slice %arg5[%add3A_702, %dma_wait3A_844] : memref<128x200xi32, #tpu.memory_space<vmem>> -> memref<1x104xi32, #tpu.memory_space<vmem>>
      %dma_wait3A_846 = tpu.memref_squeeze %dma_wait3A_845 : memref<1x104xi32, #tpu.memory_space<vmem>> -> memref<104xi32, #tpu.memory_space<vmem>>
      %dma_wait3A_847 = arith.constant 0 : i32
      %dma_wait3A_848 = arith.constant 0 : i32
      %dma_wait3A_849 = tpu.memref_slice %arg3[%dma_wait3A_847, %dma_wait3A_848] : memref<1000000x64xf32, #tpu.memory_space<hbm>> -> memref<1000000x64xf32, #tpu.memory_space<hbm>>
      tpu.wait_indirect_dma semaphore(%arg7 : memref<!tpu.dma_semaphore, #tpu.memory_space<semaphore_mem>>) src(%dma_wait3A_849 : memref<1000000x64xf32, #tpu.memory_space<hbm>>) dst(%dma_wait3A_843 : memref<104x64xf32, #tpu.memory_space<vmem>>)
      %dma_wait3A_850 = arith.constant 0 : i32
      %dma_wait3A_851 = arith.constant 104 : i32
      %dma_wait3A_852 = arith.constant 0 : i32
      %dma_wait3A_853 = tpu.memref_slice %arg6[%dma_wait3A_850, %dma_wait3A_851, %dma_wait3A_852] : memref<2x800x64xf32, #tpu.memory_space<vmem>> -> memref<1x96x64xf32, #tpu.memory_space<vmem>>
      %dma_wait3A_854 = tpu.memref_squeeze %dma_wait3A_853 : memref<1x96x64xf32, #tpu.memory_space<vmem>> -> memref<96x64xf32, #tpu.memory_space<vmem>>
      %dma_wait3A_855 = arith.constant 104 : i32
      %dma_wait3A_856 = tpu.memref_slice %arg5[%add3A_717, %dma_wait3A_855] : memref<128x200xi32, #tpu.memory_space<vmem>> -> memref<1x96xi32, #tpu.memory_space<vmem>>
      %dma_wait3A_857 = tpu.memref_squeeze %dma_wait3A_856 : memref<1x96xi32, #tpu.memory_space<vmem>> -> memref<96xi32, #tpu.memory_space<vmem>>
      %dma_wait3A_858 = arith.constant 0 : i32
      %dma_wait3A_859 = arith.constant 0 : i32
      %dma_wait3A_860 = tpu.memref_slice %arg3[%dma_wait3A_858, %dma_wait3A_859] : memref<1000000x64xf32, #tpu.memory_space<hbm>> -> memref<1000000x64xf32, #tpu.memory_space<hbm>>
      tpu.wait_indirect_dma semaphore(%arg7 : memref<!tpu.dma_semaphore, #tpu.memory_space<semaphore_mem>>) src(%dma_wait3A_860 : memref<1000000x64xf32, #tpu.memory_space<hbm>>) dst(%dma_wait3A_854 : memref<96x64xf32, #tpu.memory_space<vmem>>)
      %dma_wait3A_861 = arith.constant 0 : i32
      %dma_wait3A_862 = arith.constant 200 : i32
      %dma_wait3A_863 = arith.constant 0 : i32
      %dma_wait3A_864 = tpu.memref_slice %arg6[%dma_wait3A_861, %dma_wait3A_862, %dma_wait3A_863] : memref<2x800x64xf32, #tpu.memory_space<vmem>> -> memref<1x104x64xf32, #tpu.memory_space<vmem>>
      %dma_wait3A_865 = tpu.memref_squeeze %dma_wait3A_864 : memref<1x104x64xf32, #tpu.memory_space<vmem>> -> memref<104x64xf32, #tpu.memory_space<vmem>>
      %dma_wait3A_866 = arith.constant 0 : i32
      %dma_wait3A_867 = tpu.memref_slice %arg5[%add3A_732, %dma_wait3A_866] : memref<128x200xi32, #tpu.memory_space<vmem>> -> memref<1x104xi32, #tpu.memory_space<vmem>>
      %dma_wait3A_868 = tpu.memref_squeeze %dma_wait3A_867 : memref<1x104xi32, #tpu.memory_space<vmem>> -> memref<104xi32, #tpu.memory_space<vmem>>
      %dma_wait3A_869 = arith.constant 0 : i32
      %dma_wait3A_870 = arith.constant 0 : i32
      %dma_wait3A_871 = tpu.memref_slice %arg3[%dma_wait3A_869, %dma_wait3A_870] : memref<1000000x64xf32, #tpu.memory_space<hbm>> -> memref<1000000x64xf32, #tpu.memory_space<hbm>>
      tpu.wait_indirect_dma semaphore(%arg7 : memref<!tpu.dma_semaphore, #tpu.memory_space<semaphore_mem>>) src(%dma_wait3A_871 : memref<1000000x64xf32, #tpu.memory_space<hbm>>) dst(%dma_wait3A_865 : memref<104x64xf32, #tpu.memory_space<vmem>>)
      %dma_wait3A_872 = arith.constant 0 : i32
      %dma_wait3A_873 = arith.constant 304 : i32
      %dma_wait3A_874 = arith.constant 0 : i32
      %dma_wait3A_875 = tpu.memref_slice %arg6[%dma_wait3A_872, %dma_wait3A_873, %dma_wait3A_874] : memref<2x800x64xf32, #tpu.memory_space<vmem>> -> memref<1x96x64xf32, #tpu.memory_space<vmem>>
      %dma_wait3A_876 = tpu.memref_squeeze %dma_wait3A_875 : memref<1x96x64xf32, #tpu.memory_space<vmem>> -> memref<96x64xf32, #tpu.memory_space<vmem>>
      %dma_wait3A_877 = arith.constant 104 : i32
      %dma_wait3A_878 = tpu.memref_slice %arg5[%add3A_747, %dma_wait3A_877] : memref<128x200xi32, #tpu.memory_space<vmem>> -> memref<1x96xi32, #tpu.memory_space<vmem>>
      %dma_wait3A_879 = tpu.memref_squeeze %dma_wait3A_878 : memref<1x96xi32, #tpu.memory_space<vmem>> -> memref<96xi32, #tpu.memory_space<vmem>>
      %dma_wait3A_880 = arith.constant 0 : i32
      %dma_wait3A_881 = arith.constant 0 : i32
      %dma_wait3A_882 = tpu.memref_slice %arg3[%dma_wait3A_880, %dma_wait3A_881] : memref<1000000x64xf32, #tpu.memory_space<hbm>> -> memref<1000000x64xf32, #tpu.memory_space<hbm>>
      tpu.wait_indirect_dma semaphore(%arg7 : memref<!tpu.dma_semaphore, #tpu.memory_space<semaphore_mem>>) src(%dma_wait3A_882 : memref<1000000x64xf32, #tpu.memory_space<hbm>>) dst(%dma_wait3A_876 : memref<96x64xf32, #tpu.memory_space<vmem>>)
      %dma_wait3A_883 = arith.constant 0 : i32
      %dma_wait3A_884 = arith.constant 400 : i32
      %dma_wait3A_885 = arith.constant 0 : i32
      %dma_wait3A_886 = tpu.memref_slice %arg6[%dma_wait3A_883, %dma_wait3A_884, %dma_wait3A_885] : memref<2x800x64xf32, #tpu.memory_space<vmem>> -> memref<1x104x64xf32, #tpu.memory_space<vmem>>
      %dma_wait3A_887 = tpu.memref_squeeze %dma_wait3A_886 : memref<1x104x64xf32, #tpu.memory_space<vmem>> -> memref<104x64xf32, #tpu.memory_space<vmem>>
      %dma_wait3A_888 = arith.constant 0 : i32
      %dma_wait3A_889 = tpu.memref_slice %arg5[%add3A_762, %dma_wait3A_888] : memref<128x200xi32, #tpu.memory_space<vmem>> -> memref<1x104xi32, #tpu.memory_space<vmem>>
      %dma_wait3A_890 = tpu.memref_squeeze %dma_wait3A_889 : memref<1x104xi32, #tpu.memory_space<vmem>> -> memref<104xi32, #tpu.memory_space<vmem>>
      %dma_wait3A_891 = arith.constant 0 : i32
      %dma_wait3A_892 = arith.constant 0 : i32
      %dma_wait3A_893 = tpu.memref_slice %arg3[%dma_wait3A_891, %dma_wait3A_892] : memref<1000000x64xf32, #tpu.memory_space<hbm>> -> memref<1000000x64xf32, #tpu.memory_space<hbm>>
      tpu.wait_indirect_dma semaphore(%arg7 : memref<!tpu.dma_semaphore, #tpu.memory_space<semaphore_mem>>) src(%dma_wait3A_893 : memref<1000000x64xf32, #tpu.memory_space<hbm>>) dst(%dma_wait3A_887 : memref<104x64xf32, #tpu.memory_space<vmem>>)
      %dma_wait3A_894 = arith.constant 0 : i32
      %dma_wait3A_895 = arith.constant 504 : i32
      %dma_wait3A_896 = arith.constant 0 : i32
      %dma_wait3A_897 = tpu.memref_slice %arg6[%dma_wait3A_894, %dma_wait3A_895, %dma_wait3A_896] : memref<2x800x64xf32, #tpu.memory_space<vmem>> -> memref<1x96x64xf32, #tpu.memory_space<vmem>>
      %dma_wait3A_898 = tpu.memref_squeeze %dma_wait3A_897 : memref<1x96x64xf32, #tpu.memory_space<vmem>> -> memref<96x64xf32, #tpu.memory_space<vmem>>
      %dma_wait3A_899 = arith.constant 104 : i32
      %dma_wait3A_900 = tpu.memref_slice %arg5[%add3A_777, %dma_wait3A_899] : memref<128x200xi32, #tpu.memory_space<vmem>> -> memref<1x96xi32, #tpu.memory_space<vmem>>
      %dma_wait3A_901 = tpu.memref_squeeze %dma_wait3A_900 : memref<1x96xi32, #tpu.memory_space<vmem>> -> memref<96xi32, #tpu.memory_space<vmem>>
      %dma_wait3A_902 = arith.constant 0 : i32
      %dma_wait3A_903 = arith.constant 0 : i32
      %dma_wait3A_904 = tpu.memref_slice %arg3[%dma_wait3A_902, %dma_wait3A_903] : memref<1000000x64xf32, #tpu.memory_space<hbm>> -> memref<1000000x64xf32, #tpu.memory_space<hbm>>
      tpu.wait_indirect_dma semaphore(%arg7 : memref<!tpu.dma_semaphore, #tpu.memory_space<semaphore_mem>>) src(%dma_wait3A_904 : memref<1000000x64xf32, #tpu.memory_space<hbm>>) dst(%dma_wait3A_898 : memref<96x64xf32, #tpu.memory_space<vmem>>)
      %dma_wait3A_905 = arith.constant 0 : i32
      %dma_wait3A_906 = arith.constant 600 : i32
      %dma_wait3A_907 = arith.constant 0 : i32
      %dma_wait3A_908 = tpu.memref_slice %arg6[%dma_wait3A_905, %dma_wait3A_906, %dma_wait3A_907] : memref<2x800x64xf32, #tpu.memory_space<vmem>> -> memref<1x104x64xf32, #tpu.memory_space<vmem>>
      %dma_wait3A_909 = tpu.memref_squeeze %dma_wait3A_908 : memref<1x104x64xf32, #tpu.memory_space<vmem>> -> memref<104x64xf32, #tpu.memory_space<vmem>>
      %dma_wait3A_910 = arith.constant 0 : i32
      %dma_wait3A_911 = tpu.memref_slice %arg5[%add3A_792, %dma_wait3A_910] : memref<128x200xi32, #tpu.memory_space<vmem>> -> memref<1x104xi32, #tpu.memory_space<vmem>>
      %dma_wait3A_912 = tpu.memref_squeeze %dma_wait3A_911 : memref<1x104xi32, #tpu.memory_space<vmem>> -> memref<104xi32, #tpu.memory_space<vmem>>
      %dma_wait3A_913 = arith.constant 0 : i32
      %dma_wait3A_914 = arith.constant 0 : i32
      %dma_wait3A_915 = tpu.memref_slice %arg3[%dma_wait3A_913, %dma_wait3A_914] : memref<1000000x64xf32, #tpu.memory_space<hbm>> -> memref<1000000x64xf32, #tpu.memory_space<hbm>>
      tpu.wait_indirect_dma semaphore(%arg7 : memref<!tpu.dma_semaphore, #tpu.memory_space<semaphore_mem>>) src(%dma_wait3A_915 : memref<1000000x64xf32, #tpu.memory_space<hbm>>) dst(%dma_wait3A_909 : memref<104x64xf32, #tpu.memory_space<vmem>>)
      %dma_wait3A_916 = arith.constant 0 : i32
      %dma_wait3A_917 = arith.constant 704 : i32
      %dma_wait3A_918 = arith.constant 0 : i32
      %dma_wait3A_919 = tpu.memref_slice %arg6[%dma_wait3A_916, %dma_wait3A_917, %dma_wait3A_918] : memref<2x800x64xf32, #tpu.memory_space<vmem>> -> memref<1x96x64xf32, #tpu.memory_space<vmem>>
      %dma_wait3A_920 = tpu.memref_squeeze %dma_wait3A_919 : memref<1x96x64xf32, #tpu.memory_space<vmem>> -> memref<96x64xf32, #tpu.memory_space<vmem>>
      %dma_wait3A_921 = arith.constant 104 : i32
      %dma_wait3A_922 = tpu.memref_slice %arg5[%add3A_807, %dma_wait3A_921] : memref<128x200xi32, #tpu.memory_space<vmem>> -> memref<1x96xi32, #tpu.memory_space<vmem>>
      %dma_wait3A_923 = tpu.memref_squeeze %dma_wait3A_922 : memref<1x96xi32, #tpu.memory_space<vmem>> -> memref<96xi32, #tpu.memory_space<vmem>>
      %dma_wait3A_924 = arith.constant 0 : i32
      %dma_wait3A_925 = arith.constant 0 : i32
      %dma_wait3A_926 = tpu.memref_slice %arg3[%dma_wait3A_924, %dma_wait3A_925] : memref<1000000x64xf32, #tpu.memory_space<hbm>> -> memref<1000000x64xf32, #tpu.memory_space<hbm>>
      tpu.wait_indirect_dma semaphore(%arg7 : memref<!tpu.dma_semaphore, #tpu.memory_space<semaphore_mem>>) src(%dma_wait3A_926 : memref<1000000x64xf32, #tpu.memory_space<hbm>>) dst(%dma_wait3A_920 : memref<96x64xf32, #tpu.memory_space<vmem>>)
      %dma_wait3A_927 = arith.constant 1 : i32
      %dma_wait3A_928 = arith.constant 0 : i32
      %dma_wait3A_929 = arith.constant 0 : i32
      %dma_wait3A_930 = tpu.memref_slice %arg6[%dma_wait3A_927, %dma_wait3A_928, %dma_wait3A_929] : memref<2x800x64xf32, #tpu.memory_space<vmem>> -> memref<1x800x64xf32, #tpu.memory_space<vmem>>
      %dma_wait3A_931 = tpu.memref_squeeze %dma_wait3A_930 : memref<1x800x64xf32, #tpu.memory_space<vmem>> -> memref<800x64xf32, #tpu.memory_space<vmem>>
      %dma_wait3A_932 = arith.constant 0 : i32
      %dma_wait3A_933 = tpu.memref_slice %arg4[%mul3A_825, %dma_wait3A_932] : memref<819200x64xf32, #tpu.memory_space<hbm>> -> memref<800x64xf32, #tpu.memory_space<hbm>>
      %dma_wait3A_934 = arith.constant 0 : i32
      %dma_wait3A_935 = tpu.memref_slice %arg4[%mul3A_825, %dma_wait3A_934] : memref<819200x64xf32, #tpu.memory_space<hbm>> -> memref<800x64xf32, #tpu.memory_space<hbm>>
      %dma_wait3A_936 = arith.constant 0 : i32
      %dma_wait3A_937 = arith.constant 0 : i32
      %dma_wait3A_938 = tpu.memref_slice %arg6[%dma_wait3A_927, %dma_wait3A_936, %dma_wait3A_937] : memref<2x800x64xf32, #tpu.memory_space<vmem>> -> memref<1x800x64xf32, #tpu.memory_space<vmem>>
      %dma_wait3A_939 = tpu.memref_squeeze %dma_wait3A_938 : memref<1x800x64xf32, #tpu.memory_space<vmem>> -> memref<800x64xf32, #tpu.memory_space<vmem>>
      tpu.wait_dma2 semaphore(%arg8 : memref<!tpu.dma_semaphore, #tpu.memory_space<semaphore_mem>>) src(%dma_wait3A_939 : memref<800x64xf32, #tpu.memory_space<vmem>>) dst(%dma_wait3A_935 : memref<800x64xf32, #tpu.memory_space<hbm>>)
    }
    %scan3A_197 = arith.constant 15 : i32
    %dma_start3A_198 = arith.constant 124 : i32
    %dma_start3A_199 = arith.constant 1 : i32
    %dma_start3A_200 = arith.constant 0 : i32
    %dma_start3A_201 = arith.constant 0 : i32
    %dma_start3A_202 = tpu.memref_slice %arg6[%dma_start3A_199, %dma_start3A_200, %dma_start3A_201] : memref<2x800x64xf32, #tpu.memory_space<vmem>> -> memref<1x104x64xf32, #tpu.memory_space<vmem>>
    %dma_start3A_203 = tpu.memref_squeeze %dma_start3A_202 : memref<1x104x64xf32, #tpu.memory_space<vmem>> -> memref<104x64xf32, #tpu.memory_space<vmem>>
    %dma_start3A_204 = arith.constant 0 : i32
    %dma_start3A_205 = tpu.memref_slice %arg5[%dma_start3A_198, %dma_start3A_204] : memref<128x200xi32, #tpu.memory_space<vmem>> -> memref<1x104xi32, #tpu.memory_space<vmem>>
    %dma_start3A_206 = tpu.memref_squeeze %dma_start3A_205 : memref<1x104xi32, #tpu.memory_space<vmem>> -> memref<104xi32, #tpu.memory_space<vmem>>
    %dma_start3A_207 = arith.constant 0 : i32
    %dma_start3A_208 = arith.constant 0 : i32
    %dma_start3A_209 = tpu.memref_slice %arg3[%dma_start3A_207, %dma_start3A_208] : memref<1000000x64xf32, #tpu.memory_space<hbm>> -> memref<1000000x64xf32, #tpu.memory_space<hbm>>
    tpu.enqueue_indirect_dma source(%dma_start3A_209 : memref<1000000x64xf32, #tpu.memory_space<hbm>>) target(%dma_start3A_203 : memref<104x64xf32, #tpu.memory_space<vmem>>) offsets(%dma_start3A_206 : memref<104xi32, #tpu.memory_space<vmem>>) semaphore(%arg7 : memref<!tpu.dma_semaphore, #tpu.memory_space<semaphore_mem>>)
    %dma_start3A_210 = arith.constant 124 : i32
    %dma_start3A_211 = arith.constant 1 : i32
    %dma_start3A_212 = arith.constant 104 : i32
    %dma_start3A_213 = arith.constant 0 : i32
    %dma_start3A_214 = tpu.memref_slice %arg6[%dma_start3A_211, %dma_start3A_212, %dma_start3A_213] : memref<2x800x64xf32, #tpu.memory_space<vmem>> -> memref<1x96x64xf32, #tpu.memory_space<vmem>>
    %dma_start3A_215 = tpu.memref_squeeze %dma_start3A_214 : memref<1x96x64xf32, #tpu.memory_space<vmem>> -> memref<96x64xf32, #tpu.memory_space<vmem>>
    %dma_start3A_216 = arith.constant 104 : i32
    %dma_start3A_217 = tpu.memref_slice %arg5[%dma_start3A_210, %dma_start3A_216] : memref<128x200xi32, #tpu.memory_space<vmem>> -> memref<1x96xi32, #tpu.memory_space<vmem>>
    %dma_start3A_218 = tpu.memref_squeeze %dma_start3A_217 : memref<1x96xi32, #tpu.memory_space<vmem>> -> memref<96xi32, #tpu.memory_space<vmem>>
    %dma_start3A_219 = arith.constant 0 : i32
    %dma_start3A_220 = arith.constant 0 : i32
    %dma_start3A_221 = tpu.memref_slice %arg3[%dma_start3A_219, %dma_start3A_220] : memref<1000000x64xf32, #tpu.memory_space<hbm>> -> memref<1000000x64xf32, #tpu.memory_space<hbm>>
    tpu.enqueue_indirect_dma source(%dma_start3A_221 : memref<1000000x64xf32, #tpu.memory_space<hbm>>) target(%dma_start3A_215 : memref<96x64xf32, #tpu.memory_space<vmem>>) offsets(%dma_start3A_218 : memref<96xi32, #tpu.memory_space<vmem>>) semaphore(%arg7 : memref<!tpu.dma_semaphore, #tpu.memory_space<semaphore_mem>>)
    %dma_start3A_222 = arith.constant 125 : i32
    %dma_start3A_223 = arith.constant 1 : i32
    %dma_start3A_224 = arith.constant 200 : i32
    %dma_start3A_225 = arith.constant 0 : i32
    %dma_start3A_226 = tpu.memref_slice %arg6[%dma_start3A_223, %dma_start3A_224, %dma_start3A_225] : memref<2x800x64xf32, #tpu.memory_space<vmem>> -> memref<1x104x64xf32, #tpu.memory_space<vmem>>
    %dma_start3A_227 = tpu.memref_squeeze %dma_start3A_226 : memref<1x104x64xf32, #tpu.memory_space<vmem>> -> memref<104x64xf32, #tpu.memory_space<vmem>>
    %dma_start3A_228 = arith.constant 0 : i32
    %dma_start3A_229 = tpu.memref_slice %arg5[%dma_start3A_222, %dma_start3A_228] : memref<128x200xi32, #tpu.memory_space<vmem>> -> memref<1x104xi32, #tpu.memory_space<vmem>>
    %dma_start3A_230 = tpu.memref_squeeze %dma_start3A_229 : memref<1x104xi32, #tpu.memory_space<vmem>> -> memref<104xi32, #tpu.memory_space<vmem>>
    %dma_start3A_231 = arith.constant 0 : i32
    %dma_start3A_232 = arith.constant 0 : i32
    %dma_start3A_233 = tpu.memref_slice %arg3[%dma_start3A_231, %dma_start3A_232] : memref<1000000x64xf32, #tpu.memory_space<hbm>> -> memref<1000000x64xf32, #tpu.memory_space<hbm>>
    tpu.enqueue_indirect_dma source(%dma_start3A_233 : memref<1000000x64xf32, #tpu.memory_space<hbm>>) target(%dma_start3A_227 : memref<104x64xf32, #tpu.memory_space<vmem>>) offsets(%dma_start3A_230 : memref<104xi32, #tpu.memory_space<vmem>>) semaphore(%arg7 : memref<!tpu.dma_semaphore, #tpu.memory_space<semaphore_mem>>)
    %dma_start3A_234 = arith.constant 125 : i32
    %dma_start3A_235 = arith.constant 1 : i32
    %dma_start3A_236 = arith.constant 304 : i32
    %dma_start3A_237 = arith.constant 0 : i32
    %dma_start3A_238 = tpu.memref_slice %arg6[%dma_start3A_235, %dma_start3A_236, %dma_start3A_237] : memref<2x800x64xf32, #tpu.memory_space<vmem>> -> memref<1x96x64xf32, #tpu.memory_space<vmem>>
    %dma_start3A_239 = tpu.memref_squeeze %dma_start3A_238 : memref<1x96x64xf32, #tpu.memory_space<vmem>> -> memref<96x64xf32, #tpu.memory_space<vmem>>
    %dma_start3A_240 = arith.constant 104 : i32
    %dma_start3A_241 = tpu.memref_slice %arg5[%dma_start3A_234, %dma_start3A_240] : memref<128x200xi32, #tpu.memory_space<vmem>> -> memref<1x96xi32, #tpu.memory_space<vmem>>
    %dma_start3A_242 = tpu.memref_squeeze %dma_start3A_241 : memref<1x96xi32, #tpu.memory_space<vmem>> -> memref<96xi32, #tpu.memory_space<vmem>>
    %dma_start3A_243 = arith.constant 0 : i32
    %dma_start3A_244 = arith.constant 0 : i32
    %dma_start3A_245 = tpu.memref_slice %arg3[%dma_start3A_243, %dma_start3A_244] : memref<1000000x64xf32, #tpu.memory_space<hbm>> -> memref<1000000x64xf32, #tpu.memory_space<hbm>>
    tpu.enqueue_indirect_dma source(%dma_start3A_245 : memref<1000000x64xf32, #tpu.memory_space<hbm>>) target(%dma_start3A_239 : memref<96x64xf32, #tpu.memory_space<vmem>>) offsets(%dma_start3A_242 : memref<96xi32, #tpu.memory_space<vmem>>) semaphore(%arg7 : memref<!tpu.dma_semaphore, #tpu.memory_space<semaphore_mem>>)
    %dma_start3A_246 = arith.constant 126 : i32
    %dma_start3A_247 = arith.constant 1 : i32
    %dma_start3A_248 = arith.constant 400 : i32
    %dma_start3A_249 = arith.constant 0 : i32
    %dma_start3A_250 = tpu.memref_slice %arg6[%dma_start3A_247, %dma_start3A_248, %dma_start3A_249] : memref<2x800x64xf32, #tpu.memory_space<vmem>> -> memref<1x104x64xf32, #tpu.memory_space<vmem>>
    %dma_start3A_251 = tpu.memref_squeeze %dma_start3A_250 : memref<1x104x64xf32, #tpu.memory_space<vmem>> -> memref<104x64xf32, #tpu.memory_space<vmem>>
    %dma_start3A_252 = arith.constant 0 : i32
    %dma_start3A_253 = tpu.memref_slice %arg5[%dma_start3A_246, %dma_start3A_252] : memref<128x200xi32, #tpu.memory_space<vmem>> -> memref<1x104xi32, #tpu.memory_space<vmem>>
    %dma_start3A_254 = tpu.memref_squeeze %dma_start3A_253 : memref<1x104xi32, #tpu.memory_space<vmem>> -> memref<104xi32, #tpu.memory_space<vmem>>
    %dma_start3A_255 = arith.constant 0 : i32
    %dma_start3A_256 = arith.constant 0 : i32
    %dma_start3A_257 = tpu.memref_slice %arg3[%dma_start3A_255, %dma_start3A_256] : memref<1000000x64xf32, #tpu.memory_space<hbm>> -> memref<1000000x64xf32, #tpu.memory_space<hbm>>
    tpu.enqueue_indirect_dma source(%dma_start3A_257 : memref<1000000x64xf32, #tpu.memory_space<hbm>>) target(%dma_start3A_251 : memref<104x64xf32, #tpu.memory_space<vmem>>) offsets(%dma_start3A_254 : memref<104xi32, #tpu.memory_space<vmem>>) semaphore(%arg7 : memref<!tpu.dma_semaphore, #tpu.memory_space<semaphore_mem>>)
    %dma_start3A_258 = arith.constant 126 : i32
    %dma_start3A_259 = arith.constant 1 : i32
    %dma_start3A_260 = arith.constant 504 : i32
    %dma_start3A_261 = arith.constant 0 : i32
    %dma_start3A_262 = tpu.memref_slice %arg6[%dma_start3A_259, %dma_start3A_260, %dma_start3A_261] : memref<2x800x64xf32, #tpu.memory_space<vmem>> -> memref<1x96x64xf32, #tpu.memory_space<vmem>>
    %dma_start3A_263 = tpu.memref_squeeze %dma_start3A_262 : memref<1x96x64xf32, #tpu.memory_space<vmem>> -> memref<96x64xf32, #tpu.memory_space<vmem>>
    %dma_start3A_264 = arith.constant 104 : i32
    %dma_start3A_265 = tpu.memref_slice %arg5[%dma_start3A_258, %dma_start3A_264] : memref<128x200xi32, #tpu.memory_space<vmem>> -> memref<1x96xi32, #tpu.memory_space<vmem>>
    %dma_start3A_266 = tpu.memref_squeeze %dma_start3A_265 : memref<1x96xi32, #tpu.memory_space<vmem>> -> memref<96xi32, #tpu.memory_space<vmem>>
    %dma_start3A_267 = arith.constant 0 : i32
    %dma_start3A_268 = arith.constant 0 : i32
    %dma_start3A_269 = tpu.memref_slice %arg3[%dma_start3A_267, %dma_start3A_268] : memref<1000000x64xf32, #tpu.memory_space<hbm>> -> memref<1000000x64xf32, #tpu.memory_space<hbm>>
    tpu.enqueue_indirect_dma source(%dma_start3A_269 : memref<1000000x64xf32, #tpu.memory_space<hbm>>) target(%dma_start3A_263 : memref<96x64xf32, #tpu.memory_space<vmem>>) offsets(%dma_start3A_266 : memref<96xi32, #tpu.memory_space<vmem>>) semaphore(%arg7 : memref<!tpu.dma_semaphore, #tpu.memory_space<semaphore_mem>>)
    %dma_start3A_270 = arith.constant 127 : i32
    %dma_start3A_271 = arith.constant 1 : i32
    %dma_start3A_272 = arith.constant 600 : i32
    %dma_start3A_273 = arith.constant 0 : i32
    %dma_start3A_274 = tpu.memref_slice %arg6[%dma_start3A_271, %dma_start3A_272, %dma_start3A_273] : memref<2x800x64xf32, #tpu.memory_space<vmem>> -> memref<1x104x64xf32, #tpu.memory_space<vmem>>
    %dma_start3A_275 = tpu.memref_squeeze %dma_start3A_274 : memref<1x104x64xf32, #tpu.memory_space<vmem>> -> memref<104x64xf32, #tpu.memory_space<vmem>>
    %dma_start3A_276 = arith.constant 0 : i32
    %dma_start3A_277 = tpu.memref_slice %arg5[%dma_start3A_270, %dma_start3A_276] : memref<128x200xi32, #tpu.memory_space<vmem>> -> memref<1x104xi32, #tpu.memory_space<vmem>>
    %dma_start3A_278 = tpu.memref_squeeze %dma_start3A_277 : memref<1x104xi32, #tpu.memory_space<vmem>> -> memref<104xi32, #tpu.memory_space<vmem>>
    %dma_start3A_279 = arith.constant 0 : i32
    %dma_start3A_280 = arith.constant 0 : i32
    %dma_start3A_281 = tpu.memref_slice %arg3[%dma_start3A_279, %dma_start3A_280] : memref<1000000x64xf32, #tpu.memory_space<hbm>> -> memref<1000000x64xf32, #tpu.memory_space<hbm>>
    tpu.enqueue_indirect_dma source(%dma_start3A_281 : memref<1000000x64xf32, #tpu.memory_space<hbm>>) target(%dma_start3A_275 : memref<104x64xf32, #tpu.memory_space<vmem>>) offsets(%dma_start3A_278 : memref<104xi32, #tpu.memory_space<vmem>>) semaphore(%arg7 : memref<!tpu.dma_semaphore, #tpu.memory_space<semaphore_mem>>)
    %dma_start3A_282 = arith.constant 127 : i32
    %dma_start3A_283 = arith.constant 1 : i32
    %dma_start3A_284 = arith.constant 704 : i32
    %dma_start3A_285 = arith.constant 0 : i32
    %dma_start3A_286 = tpu.memref_slice %arg6[%dma_start3A_283, %dma_start3A_284, %dma_start3A_285] : memref<2x800x64xf32, #tpu.memory_space<vmem>> -> memref<1x96x64xf32, #tpu.memory_space<vmem>>
    %dma_start3A_287 = tpu.memref_squeeze %dma_start3A_286 : memref<1x96x64xf32, #tpu.memory_space<vmem>> -> memref<96x64xf32, #tpu.memory_space<vmem>>
    %dma_start3A_288 = arith.constant 104 : i32
    %dma_start3A_289 = tpu.memref_slice %arg5[%dma_start3A_282, %dma_start3A_288] : memref<128x200xi32, #tpu.memory_space<vmem>> -> memref<1x96xi32, #tpu.memory_space<vmem>>
    %dma_start3A_290 = tpu.memref_squeeze %dma_start3A_289 : memref<1x96xi32, #tpu.memory_space<vmem>> -> memref<96xi32, #tpu.memory_space<vmem>>
    %dma_start3A_291 = arith.constant 0 : i32
    %dma_start3A_292 = arith.constant 0 : i32
    %dma_start3A_293 = tpu.memref_slice %arg3[%dma_start3A_291, %dma_start3A_292] : memref<1000000x64xf32, #tpu.memory_space<hbm>> -> memref<1000000x64xf32, #tpu.memory_space<hbm>>
    tpu.enqueue_indirect_dma source(%dma_start3A_293 : memref<1000000x64xf32, #tpu.memory_space<hbm>>) target(%dma_start3A_287 : memref<96x64xf32, #tpu.memory_space<vmem>>) offsets(%dma_start3A_290 : memref<96xi32, #tpu.memory_space<vmem>>) semaphore(%arg7 : memref<!tpu.dma_semaphore, #tpu.memory_space<semaphore_mem>>)
    %add3A_294 = arith.constant 120 : i32
    %add3A_295 = arith.addi %mul3A_2, %add3A_294 : i32
    %mul3A_296 = arith.constant 200 : i32
    %mul3A_297 = arith.muli %add3A_295, %mul3A_296 : i32
    %dma_start3A_298 = arith.constant 0 : i32
    %dma_start3A_299 = arith.constant 0 : i32
    %dma_start3A_300 = arith.constant 0 : i32
    %dma_start3A_301 = tpu.memref_slice %arg6[%dma_start3A_298, %dma_start3A_299, %dma_start3A_300] : memref<2x800x64xf32, #tpu.memory_space<vmem>> -> memref<1x800x64xf32, #tpu.memory_space<vmem>>
    %dma_start3A_302 = tpu.memref_squeeze %dma_start3A_301 : memref<1x800x64xf32, #tpu.memory_space<vmem>> -> memref<800x64xf32, #tpu.memory_space<vmem>>
    %dma_start3A_303 = arith.constant 0 : i32
    %dma_start3A_304 = tpu.memref_slice %arg4[%mul3A_297, %dma_start3A_303] : memref<819200x64xf32, #tpu.memory_space<hbm>> -> memref<800x64xf32, #tpu.memory_space<hbm>>
    %dma_start3A_305 = arith.constant 0 : i32
    %dma_start3A_306 = tpu.memref_slice %arg4[%mul3A_297, %dma_start3A_305] : memref<819200x64xf32, #tpu.memory_space<hbm>> -> memref<800x64xf32, #tpu.memory_space<hbm>>
    %dma_start3A_307 = arith.constant 0 : i32
    %dma_start3A_308 = arith.constant 0 : i32
    %dma_start3A_309 = tpu.memref_slice %arg6[%dma_start3A_298, %dma_start3A_307, %dma_start3A_308] : memref<2x800x64xf32, #tpu.memory_space<vmem>> -> memref<1x800x64xf32, #tpu.memory_space<vmem>>
    %dma_start3A_310 = tpu.memref_squeeze %dma_start3A_309 : memref<1x800x64xf32, #tpu.memory_space<vmem>> -> memref<800x64xf32, #tpu.memory_space<vmem>>
    tpu.enqueue_dma source(%dma_start3A_310 : memref<800x64xf32, #tpu.memory_space<vmem>>) target(%dma_start3A_306 : memref<800x64xf32, #tpu.memory_space<hbm>>) target_semaphore(%arg8 : memref<!tpu.dma_semaphore, #tpu.memory_space<semaphore_mem>>)
    %dma_wait3A_311 = arith.constant 124 : i32
    %dma_wait3A_312 = arith.constant 1 : i32
    %dma_wait3A_313 = arith.constant 0 : i32
    %dma_wait3A_314 = arith.constant 0 : i32
    %dma_wait3A_315 = tpu.memref_slice %arg6[%dma_wait3A_312, %dma_wait3A_313, %dma_wait3A_314] : memref<2x800x64xf32, #tpu.memory_space<vmem>> -> memref<1x104x64xf32, #tpu.memory_space<vmem>>
    %dma_wait3A_316 = tpu.memref_squeeze %dma_wait3A_315 : memref<1x104x64xf32, #tpu.memory_space<vmem>> -> memref<104x64xf32, #tpu.memory_space<vmem>>
    %dma_wait3A_317 = arith.constant 0 : i32
    %dma_wait3A_318 = tpu.memref_slice %arg5[%dma_wait3A_311, %dma_wait3A_317] : memref<128x200xi32, #tpu.memory_space<vmem>> -> memref<1x104xi32, #tpu.memory_space<vmem>>
    %dma_wait3A_319 = tpu.memref_squeeze %dma_wait3A_318 : memref<1x104xi32, #tpu.memory_space<vmem>> -> memref<104xi32, #tpu.memory_space<vmem>>
    %dma_wait3A_320 = arith.constant 0 : i32
    %dma_wait3A_321 = arith.constant 0 : i32
    %dma_wait3A_322 = tpu.memref_slice %arg3[%dma_wait3A_320, %dma_wait3A_321] : memref<1000000x64xf32, #tpu.memory_space<hbm>> -> memref<1000000x64xf32, #tpu.memory_space<hbm>>
    tpu.wait_indirect_dma semaphore(%arg7 : memref<!tpu.dma_semaphore, #tpu.memory_space<semaphore_mem>>) src(%dma_wait3A_322 : memref<1000000x64xf32, #tpu.memory_space<hbm>>) dst(%dma_wait3A_316 : memref<104x64xf32, #tpu.memory_space<vmem>>)
    %dma_wait3A_323 = arith.constant 124 : i32
    %dma_wait3A_324 = arith.constant 1 : i32
    %dma_wait3A_325 = arith.constant 104 : i32
    %dma_wait3A_326 = arith.constant 0 : i32
    %dma_wait3A_327 = tpu.memref_slice %arg6[%dma_wait3A_324, %dma_wait3A_325, %dma_wait3A_326] : memref<2x800x64xf32, #tpu.memory_space<vmem>> -> memref<1x96x64xf32, #tpu.memory_space<vmem>>
    %dma_wait3A_328 = tpu.memref_squeeze %dma_wait3A_327 : memref<1x96x64xf32, #tpu.memory_space<vmem>> -> memref<96x64xf32, #tpu.memory_space<vmem>>
    %dma_wait3A_329 = arith.constant 104 : i32
    %dma_wait3A_330 = tpu.memref_slice %arg5[%dma_wait3A_323, %dma_wait3A_329] : memref<128x200xi32, #tpu.memory_space<vmem>> -> memref<1x96xi32, #tpu.memory_space<vmem>>
    %dma_wait3A_331 = tpu.memref_squeeze %dma_wait3A_330 : memref<1x96xi32, #tpu.memory_space<vmem>> -> memref<96xi32, #tpu.memory_space<vmem>>
    %dma_wait3A_332 = arith.constant 0 : i32
    %dma_wait3A_333 = arith.constant 0 : i32
    %dma_wait3A_334 = tpu.memref_slice %arg3[%dma_wait3A_332, %dma_wait3A_333] : memref<1000000x64xf32, #tpu.memory_space<hbm>> -> memref<1000000x64xf32, #tpu.memory_space<hbm>>
    tpu.wait_indirect_dma semaphore(%arg7 : memref<!tpu.dma_semaphore, #tpu.memory_space<semaphore_mem>>) src(%dma_wait3A_334 : memref<1000000x64xf32, #tpu.memory_space<hbm>>) dst(%dma_wait3A_328 : memref<96x64xf32, #tpu.memory_space<vmem>>)
    %dma_wait3A_335 = arith.constant 125 : i32
    %dma_wait3A_336 = arith.constant 1 : i32
    %dma_wait3A_337 = arith.constant 200 : i32
    %dma_wait3A_338 = arith.constant 0 : i32
    %dma_wait3A_339 = tpu.memref_slice %arg6[%dma_wait3A_336, %dma_wait3A_337, %dma_wait3A_338] : memref<2x800x64xf32, #tpu.memory_space<vmem>> -> memref<1x104x64xf32, #tpu.memory_space<vmem>>
    %dma_wait3A_340 = tpu.memref_squeeze %dma_wait3A_339 : memref<1x104x64xf32, #tpu.memory_space<vmem>> -> memref<104x64xf32, #tpu.memory_space<vmem>>
    %dma_wait3A_341 = arith.constant 0 : i32
    %dma_wait3A_342 = tpu.memref_slice %arg5[%dma_wait3A_335, %dma_wait3A_341] : memref<128x200xi32, #tpu.memory_space<vmem>> -> memref<1x104xi32, #tpu.memory_space<vmem>>
    %dma_wait3A_343 = tpu.memref_squeeze %dma_wait3A_342 : memref<1x104xi32, #tpu.memory_space<vmem>> -> memref<104xi32, #tpu.memory_space<vmem>>
    %dma_wait3A_344 = arith.constant 0 : i32
    %dma_wait3A_345 = arith.constant 0 : i32
    %dma_wait3A_346 = tpu.memref_slice %arg3[%dma_wait3A_344, %dma_wait3A_345] : memref<1000000x64xf32, #tpu.memory_space<hbm>> -> memref<1000000x64xf32, #tpu.memory_space<hbm>>
    tpu.wait_indirect_dma semaphore(%arg7 : memref<!tpu.dma_semaphore, #tpu.memory_space<semaphore_mem>>) src(%dma_wait3A_346 : memref<1000000x64xf32, #tpu.memory_space<hbm>>) dst(%dma_wait3A_340 : memref<104x64xf32, #tpu.memory_space<vmem>>)
    %dma_wait3A_347 = arith.constant 125 : i32
    %dma_wait3A_348 = arith.constant 1 : i32
    %dma_wait3A_349 = arith.constant 304 : i32
    %dma_wait3A_350 = arith.constant 0 : i32
    %dma_wait3A_351 = tpu.memref_slice %arg6[%dma_wait3A_348, %dma_wait3A_349, %dma_wait3A_350] : memref<2x800x64xf32, #tpu.memory_space<vmem>> -> memref<1x96x64xf32, #tpu.memory_space<vmem>>
    %dma_wait3A_352 = tpu.memref_squeeze %dma_wait3A_351 : memref<1x96x64xf32, #tpu.memory_space<vmem>> -> memref<96x64xf32, #tpu.memory_space<vmem>>
    %dma_wait3A_353 = arith.constant 104 : i32
    %dma_wait3A_354 = tpu.memref_slice %arg5[%dma_wait3A_347, %dma_wait3A_353] : memref<128x200xi32, #tpu.memory_space<vmem>> -> memref<1x96xi32, #tpu.memory_space<vmem>>
    %dma_wait3A_355 = tpu.memref_squeeze %dma_wait3A_354 : memref<1x96xi32, #tpu.memory_space<vmem>> -> memref<96xi32, #tpu.memory_space<vmem>>
    %dma_wait3A_356 = arith.constant 0 : i32
    %dma_wait3A_357 = arith.constant 0 : i32
    %dma_wait3A_358 = tpu.memref_slice %arg3[%dma_wait3A_356, %dma_wait3A_357] : memref<1000000x64xf32, #tpu.memory_space<hbm>> -> memref<1000000x64xf32, #tpu.memory_space<hbm>>
    tpu.wait_indirect_dma semaphore(%arg7 : memref<!tpu.dma_semaphore, #tpu.memory_space<semaphore_mem>>) src(%dma_wait3A_358 : memref<1000000x64xf32, #tpu.memory_space<hbm>>) dst(%dma_wait3A_352 : memref<96x64xf32, #tpu.memory_space<vmem>>)
    %dma_wait3A_359 = arith.constant 126 : i32
    %dma_wait3A_360 = arith.constant 1 : i32
    %dma_wait3A_361 = arith.constant 400 : i32
    %dma_wait3A_362 = arith.constant 0 : i32
    %dma_wait3A_363 = tpu.memref_slice %arg6[%dma_wait3A_360, %dma_wait3A_361, %dma_wait3A_362] : memref<2x800x64xf32, #tpu.memory_space<vmem>> -> memref<1x104x64xf32, #tpu.memory_space<vmem>>
    %dma_wait3A_364 = tpu.memref_squeeze %dma_wait3A_363 : memref<1x104x64xf32, #tpu.memory_space<vmem>> -> memref<104x64xf32, #tpu.memory_space<vmem>>
    %dma_wait3A_365 = arith.constant 0 : i32
    %dma_wait3A_366 = tpu.memref_slice %arg5[%dma_wait3A_359, %dma_wait3A_365] : memref<128x200xi32, #tpu.memory_space<vmem>> -> memref<1x104xi32, #tpu.memory_space<vmem>>
    %dma_wait3A_367 = tpu.memref_squeeze %dma_wait3A_366 : memref<1x104xi32, #tpu.memory_space<vmem>> -> memref<104xi32, #tpu.memory_space<vmem>>
    %dma_wait3A_368 = arith.constant 0 : i32
    %dma_wait3A_369 = arith.constant 0 : i32
    %dma_wait3A_370 = tpu.memref_slice %arg3[%dma_wait3A_368, %dma_wait3A_369] : memref<1000000x64xf32, #tpu.memory_space<hbm>> -> memref<1000000x64xf32, #tpu.memory_space<hbm>>
    tpu.wait_indirect_dma semaphore(%arg7 : memref<!tpu.dma_semaphore, #tpu.memory_space<semaphore_mem>>) src(%dma_wait3A_370 : memref<1000000x64xf32, #tpu.memory_space<hbm>>) dst(%dma_wait3A_364 : memref<104x64xf32, #tpu.memory_space<vmem>>)
    %dma_wait3A_371 = arith.constant 126 : i32
    %dma_wait3A_372 = arith.constant 1 : i32
    %dma_wait3A_373 = arith.constant 504 : i32
    %dma_wait3A_374 = arith.constant 0 : i32
    %dma_wait3A_375 = tpu.memref_slice %arg6[%dma_wait3A_372, %dma_wait3A_373, %dma_wait3A_374] : memref<2x800x64xf32, #tpu.memory_space<vmem>> -> memref<1x96x64xf32, #tpu.memory_space<vmem>>
    %dma_wait3A_376 = tpu.memref_squeeze %dma_wait3A_375 : memref<1x96x64xf32, #tpu.memory_space<vmem>> -> memref<96x64xf32, #tpu.memory_space<vmem>>
    %dma_wait3A_377 = arith.constant 104 : i32
    %dma_wait3A_378 = tpu.memref_slice %arg5[%dma_wait3A_371, %dma_wait3A_377] : memref<128x200xi32, #tpu.memory_space<vmem>> -> memref<1x96xi32, #tpu.memory_space<vmem>>
    %dma_wait3A_379 = tpu.memref_squeeze %dma_wait3A_378 : memref<1x96xi32, #tpu.memory_space<vmem>> -> memref<96xi32, #tpu.memory_space<vmem>>
    %dma_wait3A_380 = arith.constant 0 : i32
    %dma_wait3A_381 = arith.constant 0 : i32
    %dma_wait3A_382 = tpu.memref_slice %arg3[%dma_wait3A_380, %dma_wait3A_381] : memref<1000000x64xf32, #tpu.memory_space<hbm>> -> memref<1000000x64xf32, #tpu.memory_space<hbm>>
    tpu.wait_indirect_dma semaphore(%arg7 : memref<!tpu.dma_semaphore, #tpu.memory_space<semaphore_mem>>) src(%dma_wait3A_382 : memref<1000000x64xf32, #tpu.memory_space<hbm>>) dst(%dma_wait3A_376 : memref<96x64xf32, #tpu.memory_space<vmem>>)
    %dma_wait3A_383 = arith.constant 127 : i32
    %dma_wait3A_384 = arith.constant 1 : i32
    %dma_wait3A_385 = arith.constant 600 : i32
    %dma_wait3A_386 = arith.constant 0 : i32
    %dma_wait3A_387 = tpu.memref_slice %arg6[%dma_wait3A_384, %dma_wait3A_385, %dma_wait3A_386] : memref<2x800x64xf32, #tpu.memory_space<vmem>> -> memref<1x104x64xf32, #tpu.memory_space<vmem>>
    %dma_wait3A_388 = tpu.memref_squeeze %dma_wait3A_387 : memref<1x104x64xf32, #tpu.memory_space<vmem>> -> memref<104x64xf32, #tpu.memory_space<vmem>>
    %dma_wait3A_389 = arith.constant 0 : i32
    %dma_wait3A_390 = tpu.memref_slice %arg5[%dma_wait3A_383, %dma_wait3A_389] : memref<128x200xi32, #tpu.memory_space<vmem>> -> memref<1x104xi32, #tpu.memory_space<vmem>>
    %dma_wait3A_391 = tpu.memref_squeeze %dma_wait3A_390 : memref<1x104xi32, #tpu.memory_space<vmem>> -> memref<104xi32, #tpu.memory_space<vmem>>
    %dma_wait3A_392 = arith.constant 0 : i32
    %dma_wait3A_393 = arith.constant 0 : i32
    %dma_wait3A_394 = tpu.memref_slice %arg3[%dma_wait3A_392, %dma_wait3A_393] : memref<1000000x64xf32, #tpu.memory_space<hbm>> -> memref<1000000x64xf32, #tpu.memory_space<hbm>>
    tpu.wait_indirect_dma semaphore(%arg7 : memref<!tpu.dma_semaphore, #tpu.memory_space<semaphore_mem>>) src(%dma_wait3A_394 : memref<1000000x64xf32, #tpu.memory_space<hbm>>) dst(%dma_wait3A_388 : memref<104x64xf32, #tpu.memory_space<vmem>>)
    %dma_wait3A_395 = arith.constant 127 : i32
    %dma_wait3A_396 = arith.constant 1 : i32
    %dma_wait3A_397 = arith.constant 704 : i32
    %dma_wait3A_398 = arith.constant 0 : i32
    %dma_wait3A_399 = tpu.memref_slice %arg6[%dma_wait3A_396, %dma_wait3A_397, %dma_wait3A_398] : memref<2x800x64xf32, #tpu.memory_space<vmem>> -> memref<1x96x64xf32, #tpu.memory_space<vmem>>
    %dma_wait3A_400 = tpu.memref_squeeze %dma_wait3A_399 : memref<1x96x64xf32, #tpu.memory_space<vmem>> -> memref<96x64xf32, #tpu.memory_space<vmem>>
    %dma_wait3A_401 = arith.constant 104 : i32
    %dma_wait3A_402 = tpu.memref_slice %arg5[%dma_wait3A_395, %dma_wait3A_401] : memref<128x200xi32, #tpu.memory_space<vmem>> -> memref<1x96xi32, #tpu.memory_space<vmem>>
    %dma_wait3A_403 = tpu.memref_squeeze %dma_wait3A_402 : memref<1x96xi32, #tpu.memory_space<vmem>> -> memref<96xi32, #tpu.memory_space<vmem>>
    %dma_wait3A_404 = arith.constant 0 : i32
    %dma_wait3A_405 = arith.constant 0 : i32
    %dma_wait3A_406 = tpu.memref_slice %arg3[%dma_wait3A_404, %dma_wait3A_405] : memref<1000000x64xf32, #tpu.memory_space<hbm>> -> memref<1000000x64xf32, #tpu.memory_space<hbm>>
    tpu.wait_indirect_dma semaphore(%arg7 : memref<!tpu.dma_semaphore, #tpu.memory_space<semaphore_mem>>) src(%dma_wait3A_406 : memref<1000000x64xf32, #tpu.memory_space<hbm>>) dst(%dma_wait3A_400 : memref<96x64xf32, #tpu.memory_space<vmem>>)
    %dma_wait3A_407 = arith.constant 0 : i32
    %dma_wait3A_408 = arith.constant 0 : i32
    %dma_wait3A_409 = arith.constant 0 : i32
    %dma_wait3A_410 = tpu.memref_slice %arg6[%dma_wait3A_407, %dma_wait3A_408, %dma_wait3A_409] : memref<2x800x64xf32, #tpu.memory_space<vmem>> -> memref<1x800x64xf32, #tpu.memory_space<vmem>>
    %dma_wait3A_411 = tpu.memref_squeeze %dma_wait3A_410 : memref<1x800x64xf32, #tpu.memory_space<vmem>> -> memref<800x64xf32, #tpu.memory_space<vmem>>
    %dma_wait3A_412 = arith.constant 0 : i32
    %dma_wait3A_413 = tpu.memref_slice %arg4[%mul3A_297, %dma_wait3A_412] : memref<819200x64xf32, #tpu.memory_space<hbm>> -> memref<800x64xf32, #tpu.memory_space<hbm>>
    %dma_wait3A_414 = arith.constant 0 : i32
    %dma_wait3A_415 = tpu.memref_slice %arg4[%mul3A_297, %dma_wait3A_414] : memref<819200x64xf32, #tpu.memory_space<hbm>> -> memref<800x64xf32, #tpu.memory_space<hbm>>
    %dma_wait3A_416 = arith.constant 0 : i32
    %dma_wait3A_417 = arith.constant 0 : i32
    %dma_wait3A_418 = tpu.memref_slice %arg6[%dma_wait3A_407, %dma_wait3A_416, %dma_wait3A_417] : memref<2x800x64xf32, #tpu.memory_space<vmem>> -> memref<1x800x64xf32, #tpu.memory_space<vmem>>
    %dma_wait3A_419 = tpu.memref_squeeze %dma_wait3A_418 : memref<1x800x64xf32, #tpu.memory_space<vmem>> -> memref<800x64xf32, #tpu.memory_space<vmem>>
    tpu.wait_dma2 semaphore(%arg8 : memref<!tpu.dma_semaphore, #tpu.memory_space<semaphore_mem>>) src(%dma_wait3A_419 : memref<800x64xf32, #tpu.memory_space<vmem>>) dst(%dma_wait3A_415 : memref<800x64xf32, #tpu.memory_space<hbm>>)
    %add3A_420 = arith.constant 124 : i32
    %add3A_421 = arith.addi %mul3A_2, %add3A_420 : i32
    %mul3A_422 = arith.constant 200 : i32
    %mul3A_423 = arith.muli %add3A_421, %mul3A_422 : i32
    %dma_start3A_424 = arith.constant 1 : i32
    %dma_start3A_425 = arith.constant 0 : i32
    %dma_start3A_426 = arith.constant 0 : i32
    %dma_start3A_427 = tpu.memref_slice %arg6[%dma_start3A_424, %dma_start3A_425, %dma_start3A_426] : memref<2x800x64xf32, #tpu.memory_space<vmem>> -> memref<1x800x64xf32, #tpu.memory_space<vmem>>
    %dma_start3A_428 = tpu.memref_squeeze %dma_start3A_427 : memref<1x800x64xf32, #tpu.memory_space<vmem>> -> memref<800x64xf32, #tpu.memory_space<vmem>>
    %dma_start3A_429 = arith.constant 0 : i32
    %dma_start3A_430 = tpu.memref_slice %arg4[%mul3A_423, %dma_start3A_429] : memref<819200x64xf32, #tpu.memory_space<hbm>> -> memref<800x64xf32, #tpu.memory_space<hbm>>
    %dma_start3A_431 = arith.constant 0 : i32
    %dma_start3A_432 = tpu.memref_slice %arg4[%mul3A_423, %dma_start3A_431] : memref<819200x64xf32, #tpu.memory_space<hbm>> -> memref<800x64xf32, #tpu.memory_space<hbm>>
    %dma_start3A_433 = arith.constant 0 : i32
    %dma_start3A_434 = arith.constant 0 : i32
    %dma_start3A_435 = tpu.memref_slice %arg6[%dma_start3A_424, %dma_start3A_433, %dma_start3A_434] : memref<2x800x64xf32, #tpu.memory_space<vmem>> -> memref<1x800x64xf32, #tpu.memory_space<vmem>>
    %dma_start3A_436 = tpu.memref_squeeze %dma_start3A_435 : memref<1x800x64xf32, #tpu.memory_space<vmem>> -> memref<800x64xf32, #tpu.memory_space<vmem>>
    tpu.enqueue_dma source(%dma_start3A_436 : memref<800x64xf32, #tpu.memory_space<vmem>>) target(%dma_start3A_432 : memref<800x64xf32, #tpu.memory_space<hbm>>) target_semaphore(%arg8 : memref<!tpu.dma_semaphore, #tpu.memory_space<semaphore_mem>>)
    %dma_wait3A_437 = arith.constant 1 : i32
    %dma_wait3A_438 = arith.constant 0 : i32
    %dma_wait3A_439 = arith.constant 0 : i32
    %dma_wait3A_440 = tpu.memref_slice %arg6[%dma_wait3A_437, %dma_wait3A_438, %dma_wait3A_439] : memref<2x800x64xf32, #tpu.memory_space<vmem>> -> memref<1x800x64xf32, #tpu.memory_space<vmem>>
    %dma_wait3A_441 = tpu.memref_squeeze %dma_wait3A_440 : memref<1x800x64xf32, #tpu.memory_space<vmem>> -> memref<800x64xf32, #tpu.memory_space<vmem>>
    %dma_wait3A_442 = arith.constant 0 : i32
    %dma_wait3A_443 = tpu.memref_slice %arg4[%mul3A_423, %dma_wait3A_442] : memref<819200x64xf32, #tpu.memory_space<hbm>> -> memref<800x64xf32, #tpu.memory_space<hbm>>
    %dma_wait3A_444 = arith.constant 0 : i32
    %dma_wait3A_445 = tpu.memref_slice %arg4[%mul3A_423, %dma_wait3A_444] : memref<819200x64xf32, #tpu.memory_space<hbm>> -> memref<800x64xf32, #tpu.memory_space<hbm>>
    %dma_wait3A_446 = arith.constant 0 : i32
    %dma_wait3A_447 = arith.constant 0 : i32
    %dma_wait3A_448 = tpu.memref_slice %arg6[%dma_wait3A_437, %dma_wait3A_446, %dma_wait3A_447] : memref<2x800x64xf32, #tpu.memory_space<vmem>> -> memref<1x800x64xf32, #tpu.memory_space<vmem>>
    %dma_wait3A_449 = tpu.memref_squeeze %dma_wait3A_448 : memref<1x800x64xf32, #tpu.memory_space<vmem>> -> memref<800x64xf32, #tpu.memory_space<vmem>>
    tpu.wait_dma2 semaphore(%arg8 : memref<!tpu.dma_semaphore, #tpu.memory_space<semaphore_mem>>) src(%dma_wait3A_449 : memref<800x64xf32, #tpu.memory_space<vmem>>) dst(%dma_wait3A_445 : memref<800x64xf32, #tpu.memory_space<hbm>>)
    return
  }
}

</mosaic_0001>

<sc_bundles>
// kernel: kernel.3.cloned.1.call-start
scs
__scs_entry_jumppad:
0x0: {  	(pc) =	sbr.rel $0x88, $3  }
0x1: {  	(tag) =	ssettag $0x0;
	lr =	simm.s32 $0x1  }
0x2: {  	[smem:$0x3F9F] =	sst lr;
	_ =	strace $0xD0000000  }
0x3: {  	_ = 	snop  }
0x4: {  	_ = 	snop  }
0x5: {  	_ = 	snop  }
0x6: {  	_ = 	snop  }
0x7: {  	_ = 	snop  }
__scs_overlays_trampoline_lowered:
0x8: {  	[smem:$0x3FAE] =	sst s0  }
0x9: {  	[smem:$0x3FAF] =	sst s1  }
0xa: {  	[smem:$0x3FB0] =	sst s2  }
0xb: {  	[smem:$0x3FB1] =	sst s3  }
0xc: {  	[smem:$0x3FB2] =	sst s4  }
0xd: {  	[smem:$0x3FB3] =	sst s5  }
0xe: {  	[smem:$0x3FB4] =	sst s6  }
0xf: {  	[smem:$0x3FB5] =	sst s7  }
0x10: {  	[smem:$0x3FB6] =	sst s8  }
0x11: {  	[smem:$0x3FB7] =	sst s9;
	s0 =	simm.s32 @!p0 $0x0  }
0x12: {  	s1 =	sld [smem:$0x3F9D];
	s0 =	simm.s32 @p0 $0x1  }
0x13: {  	[smem:$0x3FB8] =	sst s0;
	s0 =	simm.s32 @!p1 $0x0  }
0x14: {  	s2 =	sld [smem:$0x3F9C];
	s0 =	simm.s32 @p1 $0x1  }
0x15: {  	[smem:$0x3FB9] =	sst s0;
	s0 =	simm.s32 @!p2 $0x0  }
0x16: {  	s3 =	sld [smem:$0x3FDB];
	s0 =	simm.s32 @p2 $0x1  }
0x17: {  	s4 =	simm.s32 $0x1BF5;
	[smem:$0x3FBB] =	sst s0  }
0x18: {  	s0 =	sld [smem:$0x3F9E];
	_ =	swait.ge [sflag:s4], $0x0  }
0x19: {  	s7 =	sld [smem:$0x3F9F]  }
0x1a: {  	s8 =	sadd.s32 $0xFFFFE003, lr  }
0x1b: {  	s9 =	sadd.s32 $0xFFFFFEF7, lr;
	s5 =	simm.s32 $0xFFFFFFFF;
	p2 =	slt.u32 s8, $0xFFFFF086  }
0x1c: {  	p1 =	slt.u32 s9, $0xF7A;
	s5 =	simm.s32 @!p2 $0x0  }
0x1d: {  	s5 =	simm.s32 @p1 $0x1;
	p0 =	seq.s32 s7, s2  }
0x1e: {  	s7 =	smul.u32 @!p0 $0xF7A, s2;
	p2 =	seq.s32 @!p0 s5, $0x0  }
0x1f: {  	s9 =	smul.u32 $0xF7A, s1;
	s8 =	simm.s32 @!p0 $0x1BF5;
	p2 =	por !p2, p0  }
0x20: {  	[sflag:s8] =	ssyncset.s32 @!p0 $0xFFFFF086;
	s6 =	sadd.s32 @!p0 s3, s7;
	s7 =	simm.s32 @!p0 $0x108  }
0x21: {  	s3 =	sadd.s32 s3, s9;
	s6 =	sadd.s32 @!p0 $0x88, s6;
	s7 =	simm.s32 @p2 $0x1082  }
0x22: {  	[simem:s7], [sflag:s8] =	dma.local @!p0 [hbm:s6], $0xF7A  }
0x23: {  	s9 =	sor.u32 $0xD0000000, s2;
	s6 =	simm.s32 $0x108;
	_ =	swait.ge @!p0 [sflag:s8], $0x0  }
0x24: {  	s3 =	sadd.s32 $0x88, s3;
	s6 =	simm.s32 @!p1 $0x1082;
	[sflag:s4] =	ssyncset.s32 $0xFFFFF086  }
0x25: {  	[simem:s6], [sflag:s4] =	dma.local [hbm:s3], $0xF7A  }
0x26: {  	[smem:$0x3F9F] =	sst s1;
	(tag) =	ssettag s2;
	_ =	strace s9  }
0x27: {  	s1 =	sld [smem:$0x3FAF]  }
0x28: {  	s2 =	sld [smem:$0x3FB0]  }
0x29: {  	s4 =	sld [smem:$0x3FB2]  }
0x2a: {  	p0 =	seq.s32 s5, $0x0;
	s5 =	sld [smem:$0x3FB3]  }
0x2b: {  	s6 =	sld [smem:$0x3FB4]  }
0x2c: {  	s7 =	sld [smem:$0x3FB5]  }
0x2d: {  	s3 =	simm.s32 $0x108;
	s8 =	sld [smem:$0x3FB6]  }
0x2e: {  	s3 =	simm.s32 @!p0 $0x1082;
	s9 =	sld [smem:$0x3FB7]  }
0x2f: {  	lr =	sadd.s32 s0, s3;
	s0 =	sld [smem:$0x3FAE]  }
0x30: {  	s3 =	sld [smem:$0x3FB1]  }
0x31: {  	[smem:$0x3FBA] =	sst s10  }
0x32: {  	s10 =	sld [smem:$0x3FB8];
	_ =	sdelay $0x3  }
0x33: {  	p0 =	seq.s32 s10, $0x1;
	s10 =	sld [smem:$0x3FBA];
	_ =	sdelay $0x3  }
0x34: {  	[smem:$0x3FBA] =	sst s10  }
0x35: {  	s10 =	sld [smem:$0x3FB9];
	_ =	sdelay $0x3  }
0x36: {  	p1 =	seq.s32 s10, $0x1;
	s10 =	sld [smem:$0x3FBA];
	_ =	sdelay $0x3  }
0x37: {  	[smem:$0x3FBA] =	sst s10  }
0x38: {  	s10 =	sld [smem:$0x3FBB]  }
0x39: {  	_ = 	snop;
	(pc) =	sbr.ind lr, $3  }
0x3a: {  	_ = 	snop  }
0x3b: {  	_ = 	snop  }
0x3c: {  	p2 =	seq.s32 s10, $0x1;
	s10 =	sld [smem:$0x3FBA]  }
0x3d: {  	_ =	shalt  }
0x3e: {  	_ =	shalt  }
0x3f: {  	_ =	shalt  }
0x40: {  	_ =	shalt  }
0x41: {  	_ =	shalt  }
0x42: {  	_ =	shalt  }
0x43: {  	_ =	shalt  }
0x44: {  	_ =	shalt  }
0x45: {  	_ =	shalt  }
0x46: {  	_ =	shalt  }
0x47: {  	_ =	shalt  }
0x48: {  	_ =	shalt  }
0x49: {  	_ =	shalt  }
0x4a: {  	_ =	shalt  }
0x4b: {  	_ =	shalt  }
0x4c: {  	_ =	shalt  }
0x4d: {  	_ =	shalt  }
0x4e: {  	_ =	shalt  }
0x4f: {  	_ =	shalt  }
0x50: {  	_ =	shalt  }
0x51: {  	_ =	shalt  }
0x52: {  	_ =	shalt  }
0x53: {  	_ =	shalt  }
0x54: {  	_ =	shalt  }
0x55: {  	_ =	shalt  }
0x56: {  	_ =	shalt  }
0x57: {  	_ =	shalt  }
0x58: {  	_ =	shalt  }
0x59: {  	_ =	shalt  }
0x5a: {  	_ =	shalt  }
0x5b: {  	_ =	shalt  }
0x5c: {  	_ =	shalt  }
0x5d: {  	_ =	shalt  }
0x5e: {  	_ =	shalt  }
0x5f: {  	_ =	shalt  }
0x60: {  	_ =	shalt  }
0x61: {  	_ =	shalt  }
0x62: {  	_ =	shalt  }
0x63: {  	_ =	shalt  }
0x64: {  	_ =	shalt  }
0x65: {  	_ =	shalt  }
0x66: {  	_ =	shalt  }
0x67: {  	_ =	shalt  }
0x68: {  	_ =	shalt  }
0x69: {  	_ =	shalt  }
0x6a: {  	_ =	shalt  }
0x6b: {  	_ =	shalt  }
0x6c: {  	_ =	shalt  }
0x6d: {  	_ =	shalt  }
0x6e: {  	_ =	shalt  }
0x6f: {  	_ =	shalt  }
0x70: {  	_ =	shalt  }
0x71: {  	_ =	shalt  }
0x72: {  	_ =	shalt  }
0x73: {  	_ =	shalt  }
0x74: {  	_ =	shalt  }
0x75: {  	_ =	shalt  }
0x76: {  	_ =	shalt  }
0x77: {  	_ =	shalt  }
0x78: {  	_ =	shalt  }
0x79: {  	_ =	shalt  }
0x7a: {  	_ =	shalt  }
0x7b: {  	_ =	shalt  }
0x7c: {  	_ =	shalt  }
0x7d: {  	_ =	shalt  }
0x7e: {  	_ =	shalt  }
0x7f: {  	_ =	shalt  }
0x80: {  	_ =	shalt  }
0x81: {  	_ =	shalt  }
0x82: {  	_ =	shalt  }
0x83: {  	_ =	shalt  }
0x84: {  	_ =	shalt  }
0x85: {  	_ =	shalt  }
0x86: {  	_ =	shalt  }
0x87: {  	_ =	shalt  }
.Lfunc_end0:
.L_simem_size_0:
called_computation.1_lowered:
.L_overlay_start_0:
0x88: {  	s2 =	sld [smem:$0x3FD9]  }
0x89: {  	s3 =	sld [smem:$0x3FFE];
	_ =	sdelay $0x1  }
0x8a: {  	s1 =	srdreg.scid  }
0x8b: {  	s0 =	sand.u32 $0x1, s1  }
0x8c: {  	s17 =	sshll.u32 s0, $0xA;
	s2 =	sadd.s32 s3, s2  }
0x8d: {  	s2 =	sadd.s32 s2, s17  }
0x8e: {  	[smem:$0x3FC6] =	sst s2  }
0x8f: {  	_ = 	snop  }
0x90: {  	s2 =	sld [smem:$0x3FD0];
	(tm) =	ssettm $0x1  }
0x91: {  	s18 =	sld [smem:$0x3FFB];
	_ =	sdelay $0x3  }
0x92: {  	_ =	strace s18  }
0x93: {  	s3 =	sld [smem:$0x3FFC];
	_ =	sdelay $0x3  }
0x94: {  	_ =	strace s3  }
0x95: {  	s3 =	sld [smem:$0x3FFD];
	_ =	sdelay $0x3  }
0x96: {  	_ =	strace s3  }
0x97: {  	_ =	strace $0x8FFFFFFF  }
0x98: {  	s19 =	sld [smem:$0x3FDB];
	_ =	sdelay $0x1  }
0x99: {  	s4 =	simm.s32 $_scs_section_size  }
0x9a: {  	s5 =	simm.s32 $_size__tile_overlayer_lowered;
	s6 =	simm.s32 $_tile_overlayer_lowered  }
0x9b: {  	s22 =	simm.s32 $0x1BFF;
	s21 =	sshll.u32 s6, $0x1;
	s3 =	sadd.s32 s4, s19  }
0x9c: {  	s7 =	simm.s32 $0x0;
	s20 =	sshll.u32 s5, $0x1;
	s5 =	sadd.s32 s21, s3  }
0x9d: {  	[timem:s7], [sflag:s22] =	dma.local [hbm:s5], s20  }
0x9e: {  	_ =	swait.ge [sflag:s22], s20  }
0x9f: {  	s4 =	ssub.s32 $0x0, s20;
	[sflag:s22] =	ssyncset.done $0x0  }
0xa0: {  	[sflag:s22] =	ssyncadd.s32 s4;
	_ =	sdelay $0x1  }
0xa1: {  	s23 =	simm.s32 $0x1B8B  }
0xa2: {  	_ =	swait.ge [sflag:s23], $0x1  }
0xa3: {  	[sflag:s23] =	ssyncset.done $0x0  }
0xa4: {  	s25 =	simm.s32 $0x1B8E;
	s24 =	sld [smem:$0x3FFE];
	[sflag:s23] =	ssyncadd.s32 $0xFFFFFFFF  }
0xa5: {  	s26 =	simm.s32 $execute0_lowered;
	[smem:$0x3FD2] =	sst s25  }
0xa6: {  	s5 =	sshll.u32 s26, $0x1;
	_ =	strace $0x80000046;
	[dreg:$0x1] =	wrdreg $0xFFFFFFFF  }
0xa7: {  	s28 =	simm.s32 $_size_execute0_lowered;
	s3 =	sadd.s32 s3, s5;
	[dreg:$0x0] =	wrdreg $0x0  }
0xa8: {  	s5 =	sshll.u32 s28, $0x1;
	[dreg:$0x2] =	wrdreg s3  }
0xa9: {  	[dreg:$0x3] =	wrdreg s5  }
0xaa: {  	[dreg:$0x4] =	wrdreg $0xC0  }
0xab: {  	_ =	task [dreg:s7], $0x5FFFF  }
0xac: {  	[dreg:$0x1] =	wrdreg $0xFFFFFFFF  }
0xad: {  	[dreg:$0x0] =	wrdreg $0x60  }
0xae: {  	[dreg:$0x2] =	wrdreg s24  }
0xaf: {  	[dreg:$0x3] =	wrdreg s2  }
0xb0: {  	[dreg:$0x4] =	wrdreg $0x9  }
0xb1: {  	_ =	task.clear_ibuf [dreg:s7], $0x5FFFF;
	_ =	strace $0x90000046  }
0xb2: {  	s29 =	simm.s32 $0x9;
	_ =	strace $0x80000048  }
0xb3: {  	_ =	swait.ge [sflag:s29], $0x1  }
0xb4: {  	[sflag:s29] =	ssyncadd.s32 $0xFFFFFFFF  }
0xb5: {  	_ =	strace $0x90000048  }
0xb6: {  	_ =	sfence  }
0xb7: {  	s30 =	sld [smem:$0x0];
	_ =	sdelay $0x2  }
0xb8: {  	s31 =	sshll.u32 s1, $0xD;
	s1 =	sshrl.u32 s1, $0x2  }
0xb9: {  	s3 =	sand.u32 $0x4000, s31;
	s1 =	sadd.s32 s1, s30  }
0xba: {  	s0 =	sor.u32 s3, s0;
	s1 =	sshll.u32 s1, $0x11  }
0xbb: {  	s0 =	sor.u32 s1, s0  }
0xbc: {  	s0 =	sadd.s32 $0x8F2B, s0  }
0xbd: {  	[sflag:s0] =	ssyncadd.remote.s32 $0x1  }
0xbe: {  	_ =	sfence.sel $0xFFFF  }
0xbf: {  	[dreg:$0x0] =	wrdreg $0xFFFFFFFF;
	(pc) =	sbr.abs _section_cstart, $3  }
0xc0: {  	[dreg:$0x1] =	wrdreg $0xFFFFFFFF  }
0xc1: {  	_ =	task.clear_ibuf [dreg:s7], $0x2FFFF;
	_ =	strace $0x9FFFFFFF  }
0xc2: {  	(tm) =	ssettm $0x7FFFFFFF  }
0xc3: {  	_ =	shalt  }
tec
execute0_lowered:
.L_overlay_start_1:
0x0: {  	(tag) =	ssettag $0x1  }
0x1: {  	s0 =	srdreg.scid  }
0x2: {  	s1 =	rddreg [dreg:$0x0];
	s8 =	stileid.u32  }
0x3: {  	s4 =	rddreg [dreg:$0x1];
	s2 =	simm.s32 $0x0;
	s9 =	simm.s32 $0x3  }
0x4: {  	s10 =	simm.s32 $0x68;
	s11 =	simm.s32 $0x6400;
	s12 =	simm.s32 $0x60  }
0x5: {  	s13 =	simm.s32 $0x7E00;
	s15 =	simm.s32 $0x9600;
	s17 =	simm.s32 $0xB000  }
0x6: {  	s19 =	simm.s32 $0xC800;
	s21 =	simm.s32 $0xE200;
	s23 =	simm.s32 $0xFA00  }
0x7: {  	s28 =	simm.s32 $0x12C00;
	s29 =	simm.s32 $0x14600;
	s30 =	simm.s32 $0x15E00  }
0x8: {  	s31 =	simm.s32 $0x17800;
	s14 =	simm.s32 $0x1C200;
	s0 =	sand.u32 $0x1, s0  }
0x9: {  	s3 =	sshll.u32 s8, $0x8;
	s8 =	smul.u32 $0x64000, s8;
	s5 =	sshll.u32 s0, $0x7  }
0xa: {  	s24 =	ssub.s32 $0x2, s0;
	s0 =	smul.u32 $0x32000, s0;
	s3 =	sor.u32 s5, s3  }
0xb: {  	s16 =	simm.s32 $0x1DC00;
	[smem:$0x7FF] =	sst s2;
	s5 =	smul.u32 $0x19, s3  }
0xc: {  	s18 =	simm.s32 $0x2;
	_ =	strace $0x80000047;
	s6 =	smul.u32 $0x3200, s3  }
0xd: {  	s7 =	sshrl.u32 s24, $0x1;
	s3 =	sadd.s32 $0xF42E00, s1;
	s5 =	sadd.s32 s5, s1  }
0xe: {  	s6 =	sshrl.u32 s6, $0x3;
	s1 =	ssub.s32 s24, s7;
	s24 =	simm.s32 $0x0  }
0xf: {  	s6 =	sadd.s32 s4, s6;
	s5 =	sadd.s32 $0xA00, s5;
	s4 =	sadd.s32 s8, s4  }
0x10: {  	s1 =	smax.u32 s1, $0x1;
	[dreg:$0x3] =	wrdreg s5;
	s25 =	sadd.s32 $0x2EE00, s6  }
0x11: {  	s26 =	sadd.s32 $0x30700, s6;
	[dreg:$0x6] =	wrdreg s1;
	s8 =	sadd.s32 s0, s4  }
0x12: {  	s1 =	simm.s32 $0x19000;
	s0 =	simm.s32 $0x1AA00;
	[dreg:$0x4] =	wrdreg s25  }
0x13: {  	[dreg:$0x5] =	wrdreg s26;
	s25 =	simm.s32 $0x11400;
	s26 =	simm.s32 $0x1  }
.LBB2_1:
0x14: {  	s4 =	rddreg [dreg:$0x3]  }
0x15: {  	[tilespmem:s2], [sflag:$0x3] =	stream.linear.gather [hbm4b:s4+s2], $0x6400, $0x38;
	[tilespmem:$0x1F400] =	vst v63  }
0x16: {  	_ =	swait.ge [sflag:s9], $0x6400  }
0x17: {  	[sflag:s9] =	ssyncset.done $0x0  }
0x18: {  	[sflag:s9] =	ssyncadd.s32 $0xFFFF9C00  }
0x19: {  	[tilespmem:s11], [sflag:$0x1] =	stream.indirect.gather [hbm4b:s3+s10], $0x40, s2, s10, $0xb8;
	[tilespmem:$0x1F400] =	vst v63  }
0x1a: {  	_ = 	snop  }
0x1b: {  	[tilespmem:s13], [sflag:$0x1] =	stream.indirect.gather [hbm4b:s3+s12], $0x40, s10, s12, $0xb8;
	[tilespmem:$0x1F400] =	vst v63  }
0x1c: {  	s7 =	simm.s32 $0xC8  }
0x1d: {  	[tilespmem:s15], [sflag:$0x1] =	stream.indirect.gather [hbm4b:s3+s10], $0x40, s7, s10, $0xb8;
	[tilespmem:$0x1F400] =	vst v63  }
0x1e: {  	s20 =	simm.s32 $0x130  }
0x1f: {  	[tilespmem:s17], [sflag:$0x1] =	stream.indirect.gather [hbm4b:s3+s12], $0x40, s20, s12, $0xb8;
	[tilespmem:$0x1F400] =	vst v63  }
0x20: {  	s22 =	simm.s32 $0x190  }
0x21: {  	[tilespmem:s19], [sflag:$0x1] =	stream.indirect.gather [hbm4b:s3+s10], $0x40, s22, s10, $0xb8;
	[tilespmem:$0x1F400] =	vst v63  }
0x22: {  	s5 =	simm.s32 $0x1F8  }
0x23: {  	[tilespmem:s21], [sflag:$0x1] =	stream.indirect.gather [hbm4b:s3+s12], $0x40, s5, s12, $0xb8;
	[tilespmem:$0x1F400] =	vst v63  }
0x24: {  	s6 =	simm.s32 $0x258  }
0x25: {  	[tilespmem:s23], [sflag:$0x1] =	stream.indirect.gather [hbm4b:s3+s10], $0x40, s6, s10, $0xb8;
	[tilespmem:$0x1F400] =	vst v63  }
0x26: {  	s7 =	simm.s32 $0x2C0  }
0x27: {  	[tilespmem:s25], [sflag:$0x1] =	stream.indirect.gather [hbm4b:s3+s12], $0x40, s7, s12, $0xb8;
	[tilespmem:$0x1F400] =	vst v63  }
0x28: {  	_ =	swait.ge [sflag:s26], $0x1A00  }
0x29: {  	[sflag:s26] =	ssyncset.done $0x0  }
0x2a: {  	[sflag:s26] =	ssyncadd.s32 $0xFFFFE600  }
0x2b: {  	_ =	swait.ge [sflag:s26], $0x1800  }
0x2c: {  	[sflag:s26] =	ssyncset.done $0x0  }
0x2d: {  	[sflag:s26] =	ssyncadd.s32 $0xFFFFE800  }
0x2e: {  	_ =	swait.ge [sflag:s26], $0x1A00  }
0x2f: {  	[sflag:s26] =	ssyncset.done $0x0  }
0x30: {  	[sflag:s26] =	ssyncadd.s32 $0xFFFFE600  }
0x31: {  	_ =	swait.ge [sflag:s26], $0x1800  }
0x32: {  	[sflag:s26] =	ssyncset.done $0x0  }
0x33: {  	[sflag:s26] =	ssyncadd.s32 $0xFFFFE800  }
0x34: {  	_ =	swait.ge [sflag:s26], $0x1A00  }
0x35: {  	[sflag:s26] =	ssyncset.done $0x0  }
0x36: {  	[sflag:s26] =	ssyncadd.s32 $0xFFFFE600  }
0x37: {  	_ =	swait.ge [sflag:s26], $0x1800  }
0x38: {  	[sflag:s26] =	ssyncset.done $0x0  }
0x39: {  	[sflag:s26] =	ssyncadd.s32 $0xFFFFE800  }
0x3a: {  	_ =	swait.ge [sflag:s26], $0x1A00  }
0x3b: {  	[sflag:s26] =	ssyncset.done $0x0  }
0x3c: {  	[sflag:s26] =	ssyncadd.s32 $0xFFFFE600  }
0x3d: {  	_ =	swait.ge [sflag:s26], $0x1800  }
0x3e: {  	[sflag:s26] =	ssyncset.done $0x0  }
0x3f: {  	s20 =	simm.s32 $0x320;
	[sflag:s26] =	ssyncadd.s32 $0xFFFFE800  }
0x40: {  	[tilespmem:s28], [sflag:$0x1] =	stream.indirect.gather [hbm4b:s3+s10], $0x40, s20, s10, $0xb8;
	[tilespmem:$0x1F400] =	vst v63  }
0x41: {  	s22 =	simm.s32 $0x388  }
0x42: {  	[tilespmem:s29], [sflag:$0x1] =	stream.indirect.gather [hbm4b:s3+s12], $0x40, s22, s12, $0xb8;
	[tilespmem:$0x1F400] =	vst v63  }
0x43: {  	s5 =	simm.s32 $0x3E8  }
0x44: {  	[tilespmem:s30], [sflag:$0x1] =	stream.indirect.gather [hbm4b:s3+s10], $0x40, s5, s10, $0xb8;
	[tilespmem:$0x1F400] =	vst v63  }
0x45: {  	s6 =	simm.s32 $0x450  }
0x46: {  	[tilespmem:s31], [sflag:$0x1] =	stream.indirect.gather [hbm4b:s3+s12], $0x40, s6, s12, $0xb8;
	[tilespmem:$0x1F400] =	vst v63  }
0x47: {  	s7 =	simm.s32 $0x4B0  }
0x48: {  	[tilespmem:s1], [sflag:$0x1] =	stream.indirect.gather [hbm4b:s3+s10], $0x40, s7, s10, $0xb8;
	[tilespmem:$0x1F400] =	vst v63  }
0x49: {  	s20 =	simm.s32 $0x518  }
0x4a: {  	[tilespmem:s0], [sflag:$0x1] =	stream.indirect.gather [hbm4b:s3+s12], $0x40, s20, s12, $0xb8;
	[tilespmem:$0x1F400] =	vst v63  }
0x4b: {  	s22 =	simm.s32 $0x578  }
0x4c: {  	[tilespmem:s14], [sflag:$0x1] =	stream.indirect.gather [hbm4b:s3+s10], $0x40, s22, s10, $0xb8;
	[tilespmem:$0x1F400] =	vst v63  }
0x4d: {  	s5 =	simm.s32 $0x5E0  }
0x4e: {  	[tilespmem:s16], [sflag:$0x1] =	stream.indirect.gather [hbm4b:s3+s12], $0x40, s5, s12, $0xb8;
	[tilespmem:$0x1F400] =	vst v63  }
0x4f: {  	_ = 	snop  }
0x50: {  	[hbm4b:s8+s2] =	stream.linear.scatter [tilespmem:s11], [sflag:$0x2], $0xC800, $0x38;
	[tilespmem:$0x1F400] =	vst v63  }
0x51: {  	_ =	swait.ge [sflag:s26], $0x1A00  }
0x52: {  	[sflag:s26] =	ssyncset.done $0x0  }
0x53: {  	[sflag:s26] =	ssyncadd.s32 $0xFFFFE600  }
0x54: {  	_ =	swait.ge [sflag:s26], $0x1800  }
0x55: {  	[sflag:s26] =	ssyncset.done $0x0  }
0x56: {  	[sflag:s26] =	ssyncadd.s32 $0xFFFFE800  }
0x57: {  	_ =	swait.ge [sflag:s26], $0x1A00  }
0x58: {  	[sflag:s26] =	ssyncset.done $0x0  }
0x59: {  	[sflag:s26] =	ssyncadd.s32 $0xFFFFE600  }
0x5a: {  	_ =	swait.ge [sflag:s26], $0x1800  }
0x5b: {  	[sflag:s26] =	ssyncset.done $0x0  }
0x5c: {  	[sflag:s26] =	ssyncadd.s32 $0xFFFFE800  }
0x5d: {  	_ =	swait.ge [sflag:s26], $0x1A00  }
0x5e: {  	[sflag:s26] =	ssyncset.done $0x0  }
0x5f: {  	[sflag:s26] =	ssyncadd.s32 $0xFFFFE600  }
0x60: {  	_ =	swait.ge [sflag:s26], $0x1800  }
0x61: {  	[sflag:s26] =	ssyncset.done $0x0  }
0x62: {  	[sflag:s26] =	ssyncadd.s32 $0xFFFFE800  }
0x63: {  	_ =	swait.ge [sflag:s26], $0x1A00  }
0x64: {  	[sflag:s26] =	ssyncset.done $0x0  }
0x65: {  	[sflag:s26] =	ssyncadd.s32 $0xFFFFE600  }
0x66: {  	_ =	swait.ge [sflag:s26], $0x1800  }
0x67: {  	[sflag:s26] =	ssyncset.done $0x0  }
0x68: {  	[sflag:s26] =	ssyncadd.s32 $0xFFFFE800  }
0x69: {  	_ =	swait.ge [sflag:s18], $0xC800  }
0x6a: {  	[sflag:s18] =	ssyncset.done $0x0  }
0x6b: {  	s6 =	simm.s32 $0x640;
	[sflag:s18] =	ssyncadd.s32 $0xFFFF3800  }
0x6c: {  	[tilespmem:s11], [sflag:$0x1] =	stream.indirect.gather [hbm4b:s3+s10], $0x40, s6, s10, $0xb8;
	[tilespmem:$0x1F400] =	vst v63  }
0x6d: {  	s7 =	simm.s32 $0x6A8  }
0x6e: {  	[tilespmem:s13], [sflag:$0x1] =	stream.indirect.gather [hbm4b:s3+s12], $0x40, s7, s12, $0xb8;
	[tilespmem:$0x1F400] =	vst v63  }
0x6f: {  	s20 =	simm.s32 $0x708  }
0x70: {  	[tilespmem:s15], [sflag:$0x1] =	stream.indirect.gather [hbm4b:s3+s10], $0x40, s20, s10, $0xb8;
	[tilespmem:$0x1F400] =	vst v63  }
0x71: {  	s22 =	simm.s32 $0x770  }
0x72: {  	[tilespmem:s17], [sflag:$0x1] =	stream.indirect.gather [hbm4b:s3+s12], $0x40, s22, s12, $0xb8;
	[tilespmem:$0x1F400] =	vst v63  }
0x73: {  	s5 =	simm.s32 $0x7D0  }
0x74: {  	[tilespmem:s19], [sflag:$0x1] =	stream.indirect.gather [hbm4b:s3+s10], $0x40, s5, s10, $0xb8;
	[tilespmem:$0x1F400] =	vst v63  }
0x75: {  	s6 =	simm.s32 $0x838  }
0x76: {  	[tilespmem:s21], [sflag:$0x1] =	stream.indirect.gather [hbm4b:s3+s12], $0x40, s6, s12, $0xb8;
	[tilespmem:$0x1F400] =	vst v63  }
0x77: {  	s7 =	simm.s32 $0x898  }
0x78: {  	[tilespmem:s23], [sflag:$0x1] =	stream.indirect.gather [hbm4b:s3+s10], $0x40, s7, s10, $0xb8;
	[tilespmem:$0x1F400] =	vst v63  }
0x79: {  	s20 =	simm.s32 $0x900  }
0x7a: {  	[tilespmem:s25], [sflag:$0x1] =	stream.indirect.gather [hbm4b:s3+s12], $0x40, s20, s12, $0xb8;
	[tilespmem:$0x1F400] =	vst v63  }
0x7b: {  	s22 =	sadd.s32 $0x1900, s8  }
0x7c: {  	[hbm4b:s22+s2] =	stream.linear.scatter [tilespmem:s28], [sflag:$0x2], $0xC800, $0x38;
	[tilespmem:$0x1F400] =	vst v63  }
0x7d: {  	_ =	swait.ge [sflag:s26], $0x1A00  }
0x7e: {  	[sflag:s26] =	ssyncset.done $0x0  }
0x7f: {  	[sflag:s26] =	ssyncadd.s32 $0xFFFFE600  }
0x80: {  	_ =	swait.ge [sflag:s26], $0x1800  }
0x81: {  	[sflag:s26] =	ssyncset.done $0x0  }
0x82: {  	[sflag:s26] =	ssyncadd.s32 $0xFFFFE800  }
0x83: {  	_ =	swait.ge [sflag:s26], $0x1A00  }
0x84: {  	[sflag:s26] =	ssyncset.done $0x0  }
0x85: {  	[sflag:s26] =	ssyncadd.s32 $0xFFFFE600  }
0x86: {  	_ =	swait.ge [sflag:s26], $0x1800  }
0x87: {  	[sflag:s26] =	ssyncset.done $0x0  }
0x88: {  	[sflag:s26] =	ssyncadd.s32 $0xFFFFE800  }
0x89: {  	_ =	swait.ge [sflag:s26], $0x1A00  }
0x8a: {  	[sflag:s26] =	ssyncset.done $0x0  }
0x8b: {  	[sflag:s26] =	ssyncadd.s32 $0xFFFFE600  }
0x8c: {  	_ =	swait.ge [sflag:s26], $0x1800  }
0x8d: {  	[sflag:s26] =	ssyncset.done $0x0  }
0x8e: {  	[sflag:s26] =	ssyncadd.s32 $0xFFFFE800  }
0x8f: {  	_ =	swait.ge [sflag:s26], $0x1A00  }
0x90: {  	[sflag:s26] =	ssyncset.done $0x0  }
0x91: {  	[sflag:s26] =	ssyncadd.s32 $0xFFFFE600  }
0x92: {  	_ =	swait.ge [sflag:s26], $0x1800  }
0x93: {  	[sflag:s26] =	ssyncset.done $0x0  }
0x94: {  	[sflag:s26] =	ssyncadd.s32 $0xFFFFE800  }
0x95: {  	s4 =	simm.s32 $0x3200;
	_ =	swait.ge [sflag:s18], $0xC800  }
0x96: {  	s20 =	sadd.s32 $0x3200, s8;
	s22 =	simm.s32 $0x640;
	[sflag:s18] =	ssyncset.done $0x0  }
.LBB2_2:
0x97: {  	s7 =	sadd.s32 $0x320, s22  }
0x98: {  	[sflag:s18] =	ssyncadd.s32 $0xFFFF3800;
	s5 =	smov.u32 s4;
	s6 =	sadd.s32 $0x1900, s4  }
0x99: {  	[tilespmem:s28], [sflag:$0x1] =	stream.indirect.gather [hbm4b:s3+s10], $0x40, s7, s10, $0xb8;
	[tilespmem:$0x1F400] =	vst v63  }
0x9a: {  	p0 =	sne.s32 s4, $0x15E00;
	s4 =	sadd.s32 $0x388, s22  }
0x9b: {  	[tilespmem:s29], [sflag:$0x1] =	stream.indirect.gather [hbm4b:s3+s12], $0x40, s4, s12, $0xb8;
	[tilespmem:$0x1F400] =	vst v63  }
0x9c: {  	s4 =	sadd.s32 $0x3E8, s22  }
0x9d: {  	[tilespmem:s30], [sflag:$0x1] =	stream.indirect.gather [hbm4b:s3+s10], $0x40, s4, s10, $0xb8;
	[tilespmem:$0x1F400] =	vst v63  }
0x9e: {  	s4 =	sadd.s32 $0x450, s22  }
0x9f: {  	[tilespmem:s31], [sflag:$0x1] =	stream.indirect.gather [hbm4b:s3+s12], $0x40, s4, s12, $0xb8;
	[tilespmem:$0x1F400] =	vst v63  }
0xa0: {  	s4 =	sadd.s32 $0x4B0, s22  }
0xa1: {  	[tilespmem:s1], [sflag:$0x1] =	stream.indirect.gather [hbm4b:s3+s10], $0x40, s4, s10, $0xb8;
	[tilespmem:$0x1F400] =	vst v63  }
0xa2: {  	s4 =	sadd.s32 $0x518, s22  }
0xa3: {  	[tilespmem:s0], [sflag:$0x1] =	stream.indirect.gather [hbm4b:s3+s12], $0x40, s4, s12, $0xb8;
	[tilespmem:$0x1F400] =	vst v63  }
0xa4: {  	s4 =	sadd.s32 $0x578, s22  }
0xa5: {  	[tilespmem:s14], [sflag:$0x1] =	stream.indirect.gather [hbm4b:s3+s10], $0x40, s4, s10, $0xb8;
	[tilespmem:$0x1F400] =	vst v63  }
0xa6: {  	s4 =	sadd.s32 $0x5E0, s22  }
0xa7: {  	[tilespmem:s16], [sflag:$0x1] =	stream.indirect.gather [hbm4b:s3+s12], $0x40, s4, s12, $0xb8;
	[tilespmem:$0x1F400] =	vst v63  }
0xa8: {  	_ = 	snop  }
0xa9: {  	[hbm4b:s20+s2] =	stream.linear.scatter [tilespmem:s11], [sflag:$0x2], $0xC800, $0x38;
	[tilespmem:$0x1F400] =	vst v63  }
0xaa: {  	_ =	swait.ge [sflag:s26], $0x1A00  }
0xab: {  	[sflag:s26] =	ssyncset.done $0x0  }
0xac: {  	[sflag:s26] =	ssyncadd.s32 $0xFFFFE600  }
0xad: {  	_ =	swait.ge [sflag:s26], $0x1800  }
0xae: {  	[sflag:s26] =	ssyncset.done $0x0  }
0xaf: {  	[sflag:s26] =	ssyncadd.s32 $0xFFFFE800  }
0xb0: {  	_ =	swait.ge [sflag:s26], $0x1A00  }
0xb1: {  	[sflag:s26] =	ssyncset.done $0x0  }
0xb2: {  	[sflag:s26] =	ssyncadd.s32 $0xFFFFE600  }
0xb3: {  	_ =	swait.ge [sflag:s26], $0x1800  }
0xb4: {  	[sflag:s26] =	ssyncset.done $0x0  }
0xb5: {  	[sflag:s26] =	ssyncadd.s32 $0xFFFFE800  }
0xb6: {  	_ =	swait.ge [sflag:s26], $0x1A00  }
0xb7: {  	[sflag:s26] =	ssyncset.done $0x0  }
0xb8: {  	[sflag:s26] =	ssyncadd.s32 $0xFFFFE600  }
0xb9: {  	_ =	swait.ge [sflag:s26], $0x1800  }
0xba: {  	[sflag:s26] =	ssyncset.done $0x0  }
0xbb: {  	[sflag:s26] =	ssyncadd.s32 $0xFFFFE800  }
0xbc: {  	_ =	swait.ge [sflag:s26], $0x1A00  }
0xbd: {  	[sflag:s26] =	ssyncset.done $0x0  }
0xbe: {  	[sflag:s26] =	ssyncadd.s32 $0xFFFFE600  }
0xbf: {  	_ =	swait.ge [sflag:s26], $0x1800  }
0xc0: {  	[sflag:s26] =	ssyncset.done $0x0  }
0xc1: {  	[sflag:s26] =	ssyncadd.s32 $0xFFFFE800  }
0xc2: {  	_ =	swait.ge [sflag:s18], $0xC800  }
0xc3: {  	[sflag:s18] =	ssyncset.done $0x0  }
0xc4: {  	s4 =	sadd.s32 $0x640, s22;
	[sflag:s18] =	ssyncadd.s32 $0xFFFF3800  }
0xc5: {  	[tilespmem:s11], [sflag:$0x1] =	stream.indirect.gather [hbm4b:s3+s10], $0x40, s4, s10, $0xb8;
	[tilespmem:$0x1F400] =	vst v63  }
0xc6: {  	s4 =	sadd.s32 $0x6A8, s22  }
0xc7: {  	[tilespmem:s13], [sflag:$0x1] =	stream.indirect.gather [hbm4b:s3+s12], $0x40, s4, s12, $0xb8;
	[tilespmem:$0x1F400] =	vst v63  }
0xc8: {  	s4 =	sadd.s32 $0x708, s22  }
0xc9: {  	[tilespmem:s15], [sflag:$0x1] =	stream.indirect.gather [hbm4b:s3+s10], $0x40, s4, s10, $0xb8;
	[tilespmem:$0x1F400] =	vst v63  }
0xca: {  	s4 =	sadd.s32 $0x770, s22  }
0xcb: {  	[tilespmem:s17], [sflag:$0x1] =	stream.indirect.gather [hbm4b:s3+s12], $0x40, s4, s12, $0xb8;
	[tilespmem:$0x1F400] =	vst v63  }
0xcc: {  	s4 =	sadd.s32 $0x7D0, s22  }
0xcd: {  	[tilespmem:s19], [sflag:$0x1] =	stream.indirect.gather [hbm4b:s3+s10], $0x40, s4, s10, $0xb8;
	[tilespmem:$0x1F400] =	vst v63  }
0xce: {  	s4 =	sadd.s32 $0x838, s22  }
0xcf: {  	[tilespmem:s21], [sflag:$0x1] =	stream.indirect.gather [hbm4b:s3+s12], $0x40, s4, s12, $0xb8;
	[tilespmem:$0x1F400] =	vst v63  }
0xd0: {  	s4 =	sadd.s32 $0x898, s22  }
0xd1: {  	[tilespmem:s23], [sflag:$0x1] =	stream.indirect.gather [hbm4b:s3+s10], $0x40, s4, s10, $0xb8;
	[tilespmem:$0x1F400] =	vst v63  }
0xd2: {  	s4 =	sadd.s32 $0x900, s22  }
0xd3: {  	[tilespmem:s25], [sflag:$0x1] =	stream.indirect.gather [hbm4b:s3+s12], $0x40, s4, s12, $0xb8;
	[tilespmem:$0x1F400] =	vst v63  }
0xd4: {  	s4 =	sadd.s32 $0x1900, s20  }
0xd5: {  	[hbm4b:s4+s2] =	stream.linear.scatter [tilespmem:s28], [sflag:$0x2], $0xC800, $0x38;
	[tilespmem:$0x1F400] =	vst v63  }
0xd6: {  	_ =	swait.ge [sflag:s26], $0x1A00  }
0xd7: {  	[sflag:s26] =	ssyncset.done $0x0  }
0xd8: {  	[sflag:s26] =	ssyncadd.s32 $0xFFFFE600  }
0xd9: {  	_ =	swait.ge [sflag:s26], $0x1800  }
0xda: {  	[sflag:s26] =	ssyncset.done $0x0  }
0xdb: {  	[sflag:s26] =	ssyncadd.s32 $0xFFFFE800  }
0xdc: {  	_ =	swait.ge [sflag:s26], $0x1A00  }
0xdd: {  	[sflag:s26] =	ssyncset.done $0x0  }
0xde: {  	[sflag:s26] =	ssyncadd.s32 $0xFFFFE600  }
0xdf: {  	_ =	swait.ge [sflag:s26], $0x1800  }
0xe0: {  	[sflag:s26] =	ssyncset.done $0x0  }
0xe1: {  	[sflag:s26] =	ssyncadd.s32 $0xFFFFE800  }
0xe2: {  	_ =	swait.ge [sflag:s26], $0x1A00  }
0xe3: {  	[sflag:s26] =	ssyncset.done $0x0  }
0xe4: {  	[sflag:s26] =	ssyncadd.s32 $0xFFFFE600  }
0xe5: {  	_ =	swait.ge [sflag:s26], $0x1800  }
0xe6: {  	[sflag:s26] =	ssyncset.done $0x0  }
0xe7: {  	[sflag:s26] =	ssyncadd.s32 $0xFFFFE800  }
0xe8: {  	_ =	swait.ge [sflag:s26], $0x1A00  }
0xe9: {  	[sflag:s26] =	ssyncset.done $0x0  }
0xea: {  	[sflag:s26] =	ssyncadd.s32 $0xFFFFE600  }
.Ltmp0:
0xeb: {  	_ =	swait.ge [sflag:s26], $0x1800;
	(pc) =	sbr.rel @p0 .LBB2_2-.Ltmp0, $4  }
0xec: {  	[sflag:s26] =	ssyncset.done $0x0  }
0xed: {  	[sflag:s26] =	ssyncadd.s32 $0xFFFFE800  }
0xee: {  	s22 =	sshra.s32 s5, $0x2;
	_ =	swait.ge [sflag:s18], $0xC800  }
0xef: {  	s20 =	sadd.s32 $0x3200, s20;
	s4 =	smov.u32 s6;
	[sflag:s18] =	ssyncset.done $0x0  }
0xf0: {  	s4 =	sadd.s32 $0x320, s22;
	[sflag:s18] =	ssyncadd.s32 $0xFFFF3800  }
0xf1: {  	[tilespmem:s28], [sflag:$0x1] =	stream.indirect.gather [hbm4b:s3+s10], $0x40, s4, s10, $0xb8;
	[tilespmem:$0x1F400] =	vst v63  }
0xf2: {  	s5 =	sadd.s32 $0x388, s22  }
0xf3: {  	[tilespmem:s29], [sflag:$0x1] =	stream.indirect.gather [hbm4b:s3+s12], $0x40, s5, s12, $0xb8;
	[tilespmem:$0x1F400] =	vst v63  }
0xf4: {  	s6 =	sadd.s32 $0x3E8, s22  }
0xf5: {  	[tilespmem:s30], [sflag:$0x1] =	stream.indirect.gather [hbm4b:s3+s10], $0x40, s6, s10, $0xb8;
	[tilespmem:$0x1F400] =	vst v63  }
0xf6: {  	s7 =	sadd.s32 $0x450, s22  }
0xf7: {  	[tilespmem:s31], [sflag:$0x1] =	stream.indirect.gather [hbm4b:s3+s12], $0x40, s7, s12, $0xb8;
	[tilespmem:$0x1F400] =	vst v63  }
0xf8: {  	s5 =	sadd.s32 $0x4B0, s22  }
0xf9: {  	[tilespmem:s1], [sflag:$0x1] =	stream.indirect.gather [hbm4b:s3+s10], $0x40, s5, s10, $0xb8;
	[tilespmem:$0x1F400] =	vst v63  }
0xfa: {  	s6 =	sadd.s32 $0x518, s22  }
0xfb: {  	[tilespmem:s0], [sflag:$0x1] =	stream.indirect.gather [hbm4b:s3+s12], $0x40, s6, s12, $0xb8;
	[tilespmem:$0x1F400] =	vst v63  }
0xfc: {  	s7 =	sadd.s32 $0x578, s22  }
0xfd: {  	[tilespmem:s14], [sflag:$0x1] =	stream.indirect.gather [hbm4b:s3+s10], $0x40, s7, s10, $0xb8;
	[tilespmem:$0x1F400] =	vst v63  }
0xfe: {  	s5 =	sadd.s32 $0x5E0, s22  }
0xff: {  	[tilespmem:s16], [sflag:$0x1] =	stream.indirect.gather [hbm4b:s3+s12], $0x40, s5, s12, $0xb8;
	[tilespmem:$0x1F400] =	vst v63  }
0x100: {  	_ = 	snop  }
0x101: {  	[hbm4b:s20+s2] =	stream.linear.scatter [tilespmem:s11], [sflag:$0x2], $0xC800, $0x38;
	[tilespmem:$0x1F400] =	vst v63  }
0x102: {  	_ =	swait.ge [sflag:s26], $0x1A00  }
0x103: {  	[sflag:s26] =	ssyncset.done $0x0  }
0x104: {  	[sflag:s26] =	ssyncadd.s32 $0xFFFFE600  }
0x105: {  	_ =	swait.ge [sflag:s26], $0x1800  }
0x106: {  	[sflag:s26] =	ssyncset.done $0x0  }
0x107: {  	[sflag:s26] =	ssyncadd.s32 $0xFFFFE800  }
0x108: {  	_ =	swait.ge [sflag:s26], $0x1A00  }
0x109: {  	[sflag:s26] =	ssyncset.done $0x0  }
0x10a: {  	[sflag:s26] =	ssyncadd.s32 $0xFFFFE600  }
0x10b: {  	_ =	swait.ge [sflag:s26], $0x1800  }
0x10c: {  	[sflag:s26] =	ssyncset.done $0x0  }
0x10d: {  	[sflag:s26] =	ssyncadd.s32 $0xFFFFE800  }
0x10e: {  	_ =	swait.ge [sflag:s26], $0x1A00  }
0x10f: {  	[sflag:s26] =	ssyncset.done $0x0  }
0x110: {  	[sflag:s26] =	ssyncadd.s32 $0xFFFFE600  }
0x111: {  	_ =	swait.ge [sflag:s26], $0x1800  }
0x112: {  	[sflag:s26] =	ssyncset.done $0x0  }
0x113: {  	[sflag:s26] =	ssyncadd.s32 $0xFFFFE800  }
0x114: {  	_ =	swait.ge [sflag:s26], $0x1A00  }
0x115: {  	[sflag:s26] =	ssyncset.done $0x0  }
0x116: {  	[sflag:s26] =	ssyncadd.s32 $0xFFFFE600  }
0x117: {  	_ =	swait.ge [sflag:s26], $0x1800  }
0x118: {  	[sflag:s26] =	ssyncset.done $0x0  }
0x119: {  	[sflag:s26] =	ssyncadd.s32 $0xFFFFE800  }
0x11a: {  	_ =	swait.ge [sflag:s18], $0xC800  }
0x11b: {  	[sflag:s18] =	ssyncset.done $0x0  }
0x11c: {  	s6 =	sadd.s32 $0x640, s22;
	[sflag:s18] =	ssyncadd.s32 $0xFFFF3800  }
0x11d: {  	[tilespmem:s11], [sflag:$0x1] =	stream.indirect.gather [hbm4b:s3+s10], $0x40, s6, s10, $0xb8;
	[tilespmem:$0x1F400] =	vst v63  }
0x11e: {  	s7 =	sadd.s32 $0x6A8, s22  }
0x11f: {  	[tilespmem:s13], [sflag:$0x1] =	stream.indirect.gather [hbm4b:s3+s12], $0x40, s7, s12, $0xb8;
	[tilespmem:$0x1F400] =	vst v63  }
0x120: {  	s5 =	sadd.s32 $0x708, s22  }
0x121: {  	[tilespmem:s15], [sflag:$0x1] =	stream.indirect.gather [hbm4b:s3+s10], $0x40, s5, s10, $0xb8;
	[tilespmem:$0x1F400] =	vst v63  }
0x122: {  	s6 =	sadd.s32 $0x770, s22  }
0x123: {  	[tilespmem:s17], [sflag:$0x1] =	stream.indirect.gather [hbm4b:s3+s12], $0x40, s6, s12, $0xb8;
	[tilespmem:$0x1F400] =	vst v63  }
0x124: {  	s7 =	sadd.s32 $0x7D0, s22  }
0x125: {  	[tilespmem:s19], [sflag:$0x1] =	stream.indirect.gather [hbm4b:s3+s10], $0x40, s7, s10, $0xb8;
	[tilespmem:$0x1F400] =	vst v63  }
0x126: {  	s5 =	sadd.s32 $0x838, s22  }
0x127: {  	[tilespmem:s21], [sflag:$0x1] =	stream.indirect.gather [hbm4b:s3+s12], $0x40, s5, s12, $0xb8;
	[tilespmem:$0x1F400] =	vst v63  }
0x128: {  	s6 =	sadd.s32 $0x898, s22  }
0x129: {  	[tilespmem:s23], [sflag:$0x1] =	stream.indirect.gather [hbm4b:s3+s10], $0x40, s6, s10, $0xb8;
	[tilespmem:$0x1F400] =	vst v63  }
0x12a: {  	s7 =	sadd.s32 $0x900, s22  }
0x12b: {  	[tilespmem:s25], [sflag:$0x1] =	stream.indirect.gather [hbm4b:s3+s12], $0x40, s7, s12, $0xb8;
	[tilespmem:$0x1F400] =	vst v63  }
0x12c: {  	s20 =	sadd.s32 $0x1900, s20  }
0x12d: {  	[hbm4b:s20+s2] =	stream.linear.scatter [tilespmem:s28], [sflag:$0x2], $0xC800, $0x38;
	[tilespmem:$0x1F400] =	vst v63  }
0x12e: {  	_ =	swait.ge [sflag:s26], $0x1A00  }
0x12f: {  	[sflag:s26] =	ssyncset.done $0x0  }
0x130: {  	[sflag:s26] =	ssyncadd.s32 $0xFFFFE600  }
0x131: {  	_ =	swait.ge [sflag:s26], $0x1800  }
0x132: {  	[sflag:s26] =	ssyncset.done $0x0  }
0x133: {  	[sflag:s26] =	ssyncadd.s32 $0xFFFFE800  }
0x134: {  	_ =	swait.ge [sflag:s26], $0x1A00  }
0x135: {  	[sflag:s26] =	ssyncset.done $0x0  }
0x136: {  	[sflag:s26] =	ssyncadd.s32 $0xFFFFE600  }
0x137: {  	_ =	swait.ge [sflag:s26], $0x1800  }
0x138: {  	[sflag:s26] =	ssyncset.done $0x0  }
0x139: {  	[sflag:s26] =	ssyncadd.s32 $0xFFFFE800  }
0x13a: {  	_ =	swait.ge [sflag:s26], $0x1A00  }
0x13b: {  	[sflag:s26] =	ssyncset.done $0x0  }
0x13c: {  	[sflag:s26] =	ssyncadd.s32 $0xFFFFE600  }
0x13d: {  	_ =	swait.ge [sflag:s26], $0x1800  }
0x13e: {  	[sflag:s26] =	ssyncset.done $0x0  }
0x13f: {  	[sflag:s26] =	ssyncadd.s32 $0xFFFFE800  }
0x140: {  	_ =	swait.ge [sflag:s26], $0x1A00  }
0x141: {  	[sflag:s26] =	ssyncset.done $0x0  }
0x142: {  	[sflag:s26] =	ssyncadd.s32 $0xFFFFE600  }
0x143: {  	_ =	swait.ge [sflag:s26], $0x1800  }
0x144: {  	[sflag:s26] =	ssyncset.done $0x0  }
0x145: {  	[sflag:s26] =	ssyncadd.s32 $0xFFFFE800  }
0x146: {  	_ =	swait.ge [sflag:s18], $0xC800  }
0x147: {  	[sflag:s18] =	ssyncset.done $0x0  }
0x148: {  	s22 =	simm.s32 $0x60E0;
	[sflag:s18] =	ssyncadd.s32 $0xFFFF3800  }
0x149: {  	[tilespmem:s28], [sflag:$0x1] =	stream.indirect.gather [hbm4b:s3+s10], $0x40, s22, s10, $0xb8;
	[tilespmem:$0x1F400] =	vst v63  }
0x14a: {  	s5 =	simm.s32 $0x6148  }
0x14b: {  	[tilespmem:s29], [sflag:$0x1] =	stream.indirect.gather [hbm4b:s3+s12], $0x40, s5, s12, $0xb8;
	[tilespmem:$0x1F400] =	vst v63  }
0x14c: {  	s6 =	simm.s32 $0x61A8  }
0x14d: {  	[tilespmem:s30], [sflag:$0x1] =	stream.indirect.gather [hbm4b:s3+s10], $0x40, s6, s10, $0xb8;
	[tilespmem:$0x1F400] =	vst v63  }
0x14e: {  	s7 =	simm.s32 $0x6210  }
0x14f: {  	[tilespmem:s31], [sflag:$0x1] =	stream.indirect.gather [hbm4b:s3+s12], $0x40, s7, s12, $0xb8;
	[tilespmem:$0x1F400] =	vst v63  }
0x150: {  	s20 =	simm.s32 $0x6270  }
0x151: {  	[tilespmem:s1], [sflag:$0x1] =	stream.indirect.gather [hbm4b:s3+s10], $0x40, s20, s10, $0xb8;
	[tilespmem:$0x1F400] =	vst v63  }
0x152: {  	s22 =	simm.s32 $0x62D8  }
0x153: {  	[tilespmem:s0], [sflag:$0x1] =	stream.indirect.gather [hbm4b:s3+s12], $0x40, s22, s12, $0xb8;
	[tilespmem:$0x1F400] =	vst v63  }
0x154: {  	s5 =	simm.s32 $0x6338  }
0x155: {  	[tilespmem:s14], [sflag:$0x1] =	stream.indirect.gather [hbm4b:s3+s10], $0x40, s5, s10, $0xb8;
	[tilespmem:$0x1F400] =	vst v63  }
0x156: {  	s6 =	simm.s32 $0x63A0  }
0x157: {  	[tilespmem:s16], [sflag:$0x1] =	stream.indirect.gather [hbm4b:s3+s12], $0x40, s6, s12, $0xb8;
	[tilespmem:$0x1F400] =	vst v63  }
0x158: {  	s7 =	rddreg [dreg:$0x4]  }
0x159: {  	[hbm4b:s7+s2] =	stream.linear.scatter [tilespmem:s11], [sflag:$0x2], $0xC800, $0x38;
	[tilespmem:$0x1F400] =	vst v63  }
0x15a: {  	_ =	swait.ge [sflag:s26], $0x1A00  }
0x15b: {  	[sflag:s26] =	ssyncset.done $0x0  }
0x15c: {  	[sflag:s26] =	ssyncadd.s32 $0xFFFFE600  }
0x15d: {  	_ =	swait.ge [sflag:s26], $0x1800  }
0x15e: {  	[sflag:s26] =	ssyncset.done $0x0  }
0x15f: {  	[sflag:s26] =	ssyncadd.s32 $0xFFFFE800  }
0x160: {  	_ =	swait.ge [sflag:s26], $0x1A00  }
0x161: {  	[sflag:s26] =	ssyncset.done $0x0  }
0x162: {  	[sflag:s26] =	ssyncadd.s32 $0xFFFFE600  }
0x163: {  	_ =	swait.ge [sflag:s26], $0x1800  }
0x164: {  	[sflag:s26] =	ssyncset.done $0x0  }
0x165: {  	[sflag:s26] =	ssyncadd.s32 $0xFFFFE800  }
0x166: {  	_ =	swait.ge [sflag:s26], $0x1A00  }
0x167: {  	[sflag:s26] =	ssyncset.done $0x0  }
0x168: {  	[sflag:s26] =	ssyncadd.s32 $0xFFFFE600  }
0x169: {  	_ =	swait.ge [sflag:s26], $0x1800  }
0x16a: {  	[sflag:s26] =	ssyncset.done $0x0  }
0x16b: {  	[sflag:s26] =	ssyncadd.s32 $0xFFFFE800  }
0x16c: {  	_ =	swait.ge [sflag:s26], $0x1A00  }
0x16d: {  	[sflag:s26] =	ssyncset.done $0x0  }
0x16e: {  	[sflag:s26] =	ssyncadd.s32 $0xFFFFE600  }
0x16f: {  	_ =	swait.ge [sflag:s26], $0x1800  }
0x170: {  	[sflag:s26] =	ssyncset.done $0x0  }
0x171: {  	[sflag:s26] =	ssyncadd.s32 $0xFFFFE800  }
0x172: {  	_ =	swait.ge [sflag:s18], $0xC800  }
0x173: {  	[sflag:s18] =	ssyncset.done $0x0  }
0x174: {  	s20 =	rddreg [dreg:$0x5];
	[sflag:s18] =	ssyncadd.s32 $0xFFFF3800  }
0x175: {  	[hbm4b:s20+s2] =	stream.linear.scatter [tilespmem:s28], [sflag:$0x2], $0xC800, $0x38;
	[tilespmem:$0x1F400] =	vst v63  }
0x176: {  	_ =	swait.ge [sflag:s18], $0xC800  }
0x177: {  	s24 =	sadd.s32 $0x1, s24;
	s22 =	rddreg [dreg:$0x6]  }
0x178: {  	p0 =	sne.s32 s24, s22  }
.Ltmp1:
0x179: {  	_ = 	snop;
	(pc) =	sbr.rel @p0 .LBB2_1-.Ltmp1, $3  }
0x17a: {  	_ =	sdelay $0x1  }
0x17b: {  	[sflag:s18] =	ssyncset.done $0x0  }
0x17c: {  	[sflag:s18] =	ssyncadd.s32 $0xFFFF3800  }
0x17d: {  	_ =	sfence.sel $0x180000  }
0x17e: {  	[bflag:$0x0] =	sbarrier.arrive $0xFFFF  }
0x17f: {  	_ =	strace $0x90000047  }
0x180: {  	s0 =	stileid.u32;
	[bflag:$0x2] =	sbarrier.arrive $0xFFFF  }
0x181: {  	p0 =	sne.s32 s0, $0x0;
	s0 =	rddreg [dreg:$0x2]  }
0x182: {  	s0 =	sadd.s32 @!p0 $0x100000, s0  }
0x183: {  	[sflag:s0] =	ssyncadd.tile.s32 @!p0 $0x1;
	_ =	shalt  }
.Lfunc_end2:
_tile_overlayer_lowered:
.L_overlay_start_2:
0x184: {  	(tag) =	ssettag $0x2  }
0x185: {  	s0 =	rddreg [dreg:$0x0];
	s2 =	stileid.u32  }
0x186: {  	s1 =	rddreg [dreg:$0x1];
	p0 =	sne.s32 s2, $0x0  }
0x187: {  	s3 =	rddreg [dreg:$0x2];
	[bflag:$0x3] =	sbarrier.arrive $0xFFFF;
	s2 =	simm.s32 @!p0 $0x1C03  }
0x188: {  	[timem:s3], [sflag:s2] =	dma.local @!p0 [hbm:s0], s1  }
0x189: {  	s0 =	simm.s32 @!p0 $0x3  }
0x18a: {  	_ =	swait.ge @!p0 [sflag:s0], s1  }
0x18b: {  	s1 =	ssub.s32 @!p0 $0x0, s1;
	[sflag:s0] =	ssyncset.done @!p0 $0x0  }
0x18c: {  	[sflag:s0] =	ssyncadd.s32 @!p0 s1  }
0x18d: {  	[bflag:$0x3] =	sbarrier.arrive $0xFFFF  }
0x18e: {  	_ =	shalt  }

// kernel: sparse-core-data-format-call.cloned.1.call-start
scs
called_computation_lowered:
.L_overlay_start_0:
0x0: {  	s2 =	sld [smem:$0x3FD9]  }
0x1: {  	s3 =	sld [smem:$0x3FFE];
	_ =	sdelay $0x1  }
0x2: {  	s1 =	srdreg.scid  }
0x3: {  	s0 =	sand.u32 $0x1, s1  }
0x4: {  	s18 =	sshll.u32 s0, $0xA;
	s2 =	sadd.s32 s3, s2  }
0x5: {  	s2 =	sadd.s32 s2, s18  }
0x6: {  	[smem:$0x3FC6] =	sst s2  }
0x7: {  	_ = 	snop  }
0x8: {  	s2 =	sld [smem:$0x3FD0];
	(tm) =	ssettm $0x1  }
0x9: {  	s19 =	sld [smem:$0x3FFB];
	_ =	sdelay $0x3  }
0xa: {  	_ =	strace s19  }
0xb: {  	s3 =	sld [smem:$0x3FFC];
	_ =	sdelay $0x3  }
0xc: {  	_ =	strace s3  }
0xd: {  	s3 =	sld [smem:$0x3FFD];
	_ =	sdelay $0x3  }
0xe: {  	_ =	strace s3  }
0xf: {  	_ =	strace $0x8FFFFFFF  }
0x10: {  	s20 =	sld [smem:$0x3FDB];
	_ =	sdelay $0x1  }
0x11: {  	s4 =	simm.s32 $_scs_section_size  }
0x12: {  	s5 =	simm.s32 $_size__tile_overlayer_lowered;
	s6 =	simm.s32 $_tile_overlayer_lowered  }
0x13: {  	s23 =	simm.s32 $0x1BFF;
	s22 =	sshll.u32 s6, $0x1;
	s3 =	sadd.s32 s4, s20  }
0x14: {  	s7 =	simm.s32 $0x0;
	s21 =	sshll.u32 s5, $0x1;
	s5 =	sadd.s32 s22, s3  }
0x15: {  	[timem:s7], [sflag:s23] =	dma.local [hbm:s5], s21  }
0x16: {  	_ =	swait.ge [sflag:s23], s21  }
0x17: {  	s4 =	ssub.s32 $0x0, s21;
	[sflag:s23] =	ssyncset.done $0x0  }
0x18: {  	[sflag:s23] =	ssyncadd.s32 s4;
	_ =	sdelay $0x1  }
0x19: {  	s24 =	simm.s32 $0x1B8B  }
0x1a: {  	_ =	swait.ge [sflag:s24], $0x1  }
0x1b: {  	[sflag:s24] =	ssyncset.done $0x0  }
0x1c: {  	s26 =	simm.s32 $0x1B8E;
	s25 =	sld [smem:$0x3FFE];
	[sflag:s24] =	ssyncadd.s32 $0xFFFFFFFF  }
0x1d: {  	s27 =	simm.s32 $execute0_lowered;
	[smem:$0x3FD2] =	sst s26  }
0x1e: {  	s5 =	sshll.u32 s27, $0x1;
	_ =	strace $0x80000049;
	[dreg:$0x1] =	wrdreg $0xFFFFFFFF  }
0x1f: {  	s28 =	simm.s32 $_size_execute0_lowered;
	s3 =	sadd.s32 s3, s5;
	[dreg:$0x0] =	wrdreg $0x0  }
0x20: {  	s5 =	sshll.u32 s28, $0x1;
	[dreg:$0x2] =	wrdreg s3  }
0x21: {  	[dreg:$0x3] =	wrdreg s5  }
0x22: {  	[dreg:$0x4] =	wrdreg $0xC0  }
0x23: {  	_ =	task [dreg:s7], $0x5FFFF  }
0x24: {  	[dreg:$0x1] =	wrdreg $0xFFFFFFFF  }
0x25: {  	[dreg:$0x0] =	wrdreg $0x60  }
0x26: {  	[dreg:$0x2] =	wrdreg s25  }
0x27: {  	[dreg:$0x3] =	wrdreg s2  }
0x28: {  	[dreg:$0x4] =	wrdreg $0x9  }
0x29: {  	_ =	task.clear_ibuf [dreg:s7], $0x5FFFF;
	_ =	strace $0x90000049  }
0x2a: {  	s29 =	simm.s32 $0x9;
	_ =	strace $0x8000004B  }
0x2b: {  	_ =	swait.ge [sflag:s29], $0x1  }
0x2c: {  	[sflag:s29] =	ssyncadd.s32 $0xFFFFFFFF  }
0x2d: {  	_ =	strace $0x9000004B  }
0x2e: {  	_ =	sfence  }
0x2f: {  	s30 =	sld [smem:$0x0];
	_ =	sdelay $0x2  }
0x30: {  	s31 =	sshll.u32 s1, $0xD;
	s1 =	sshrl.u32 s1, $0x2  }
0x31: {  	s3 =	sand.u32 $0x4000, s31;
	s1 =	sadd.s32 s1, s30  }
0x32: {  	s0 =	sor.u32 s3, s0;
	s1 =	sshll.u32 s1, $0x11  }
0x33: {  	s0 =	sor.u32 s1, s0  }
0x34: {  	s0 =	sadd.s32 $0x8F2B, s0  }
0x35: {  	[sflag:s0] =	ssyncadd.remote.s32 $0x1  }
0x36: {  	_ =	sfence.sel $0xFFFF  }
0x37: {  	[dreg:$0x0] =	wrdreg $0xFFFFFFFF;
	(pc) =	sbr.abs _section_cstart, $3  }
0x38: {  	[dreg:$0x1] =	wrdreg $0xFFFFFFFF  }
0x39: {  	_ =	task.clear_ibuf [dreg:s7], $0x2FFFF;
	_ =	strace $0x9FFFFFFF  }
0x3a: {  	(tm) =	ssettm $0x7FFFFFFF  }
0x3b: {  	_ =	shalt  }
tec
execute0_lowered:
.L_overlay_start_1:
0x0: {  	(tag) =	ssettag $0x1  }
0x1: {  	s0 =	srdreg.scid  }
0x2: {  	s1 =	sshll.u32 s0, $0x4  }
0x3: {  	s0 =	stileid.u32;
	s1 =	sand.u32 $0x10, s1  }
0x4: {  	s1 =	sor.u32 s0, s1  }
0x5: {  	s6 =	rddreg [dreg:$0x0];
	s4 =	simm.s32 $0x1;
	s2 =	sshll.u32 s1, $0x7  }
0x6: {  	s7 =	simm.s32 $0x2;
	s12 =	simm.s32 $0x0;
	s1 =	ssub.s32 $0x1000, s2  }
0x7: {  	s8 =	simm.s32 $0x8000;
	s13 =	simm.s32 $0x0;
	s3 =	sand.u32 $0xF80, s1  }
0x8: {  	s9 =	simm.s32 $0x0;
	s5 =	sshrl.u32 s1, $0xC;
	p0 =	sne.s32 s3, $0x0  }
.Ltmp0:
0x9: {  	s1 =	rddreg [dreg:$0x2];
	s4 =	simm.s32 @!p0 $0x0;
	(pc) =	sbr.rel .LBB1_1-.Ltmp0, $4  }
0xa: {  	s11 =	simm.s32 $0x0;
	s3 =	rddreg [dreg:$0x1];
	s5 =	sadd.s32 s4, s5  }
0xb: {  	_ =	strace $0x8000004A;
	s4 =	simm.s32 $0x1;
	s5 =	smul.u32 $0xC8, s5  }
0xc: {  	s6 =	sadd.s32 $0xA00, s6;
	s10 =	smov.u32 s2;
	[sflag:s4] =	ssyncpa.u1 $0x0  }
0xd: {  	p0 =	por $0x0, $0x0;
	[sflag:s7] =	ssyncpa.u1 $0x0;
	s7 =	sor.u32 $0x1, s5  }
.LBB1_4:
0xe: {  	s16 =	sshll.u32 s13, $0x3;
	s17 =	sand.u32 $0x78, s13  }
0xf: {  	s30 =	sand.u32 $0x7E00, s13;
	s12 =	sshll.u32 s12, $0xF;
	s16 =	sand.u32 $0xC00, s16  }
0x10: {  	[tilespmem:s15+$0x810 ss:$0x81] =	vst.msk $0xffff, v2;
	s31 =	sand.u32 $0x7, s13;
	s16 =	sor.u32 s17, s16;
	s17 =	sadd.s32 s3, s30  }
0x11: {  	[tilespmem:s15+$0x1020 ss:$0x81] =	vst.msk $0xffff, v0;
	s13 =	sshll.u32 s31, $0x12;
	s12 =	sadd.s32 s12, s17;
	s16 =	sshrl.u32 s16, $0x3  }
0x12: {  	[tilespmem:s15+$0x0 ss:$0x81] =	vst.msk $0xffff, v1;
	s13 =	sor.u32 $0x400, s13;
	s12 =	sadd.s32 s16, s12  }
0x13: {  	[hbm4b:s12+s13] =	stream.strided.scatter [tilespmem:s14], [sflag:$0x2], $0x2000, s8, s13, $0x20;
	[tilespmem:$0x8080] =	vst v63  }
.LBB1_5:
0x14: {  	s14 =	sadd.s32 $0x1, s9  }
0x15: {  	s12 =	sadd.s32 $0x1000, s10;
	s16 =	smov.u32 s10;
	p2 =	sgt.s32 s14, $0xC7  }
0x16: {  	s16 =	smov.u32 @p2 s12  }
0x17: {  	s14 =	simm.s32 @p2 $0x0;
	p2 =	sgt.s32 s16, $0xFFF  }
0x18: {  	s16 =	smov.u32 @p2 s2;
	p2 =	sne.s32 s11, s7  }
.Ltmp1:
0x19: {  	p1 =	slt.u32 s11, $0x2;
	(pc) =	sbr.rel @!p2 .LBB1_6-.Ltmp1, $4  }
0x1a: {  	s15 =	simm.s32 @!p1 $0x2  }
0x1b: {  	s13 =	smov.u32 s10;
	p0 =	por !p0, !p0;
	_ =	swait.ge @!p1 [sflag:s15], $0x2000  }
0x1c: {  	s12 =	smov.u32 s9;
	[sflag:s15] =	ssyncset.done @!p1 $0x0;
	s9 =	smov.u32 s14  }
0x1d: {  	s11 =	sadd.s32 $0x1, s11;
	[sflag:s15] =	ssyncadd.s32 @!p1 $0xFFFFE000;
	s10 =	smov.u32 s16  }
.LBB1_1:
0x1e: {  	p1 =	sge.u32 s11, s5  }
0x1f: {  	s14 =	sand.u32 @!p1 $0x1FFFFFF, s9  }
0x20: {  	s15 =	smulhi.u32 @!p1 $0x147AE15, s14;
	_ =	sdelay $0x1  }
0x21: {  	s15 =	smul.u32 @!p1 $0xC8, s15  }
0x22: {  	s16 =	sxor.u32 @!p1 $0xFFFFFFFF, s11;
	s17 =	smul.u32 @!p1 $0xC80, s10  }
0x23: {  	s31 =	sadd.s32 $0xFFFFFFFF, s11;
	s16 =	sshll.u32 @!p1 s16, $0xD;
	s14 =	ssub.s32 @!p1 s14, s15  }
0x24: {  	s15 =	sand.u32 @!p1 $0x2000, s16;
	s16 =	sadd.s32 @!p1 s6, s17;
	s14 =	sshll.u32 @!p1 s14, $0x4  }
0x25: {  	s17 =	simm.s32 @!p1 $0x6400;
	s14 =	sadd.s32 @!p1 s14, s16;
	s16 =	simm.s32 @!p1 $0x40  }
0x26: {  	[tilespmem:s15], [sflag:$0x1] =	stream.strided.gather @!p1 [hbm4b:s14+s16], $0x2000, s17, s16, $0x38;
	[tilespmem:$0x8080] =	vst v63  }
0x27: {  	p1 =	sge.u32 s31, s5  }
.Ltmp2:
0x28: {  	_ = 	snop;
	(pc) =	sbr.rel @p1 .LBB1_5-.Ltmp2, $1  }
0x29: {  	_ =	sdelay $0x3  }
0x2a: {  	s14 =	simm.s32 $0x1  }
0x2b: {  	_ =	swait.ge [sflag:s4], $0x2000;
	s14 =	simm.s32 @!p0 $0x0  }
0x2c: {  	[sflag:s4] =	ssyncset.done $0x0;
	s15 =	sshll.u32 s14, $0xD  }
0x2d: {  	[sflag:s4] =	ssyncadd.s32 $0xFFFFE000;
	s18 =	sor.u32 $0x20, s15  }
0x2e: {  	s14 =	smul.u32 $0x8100, s14;
	v3 =	vld [tilespmem:s18+$0x10]  }
0x2f: {  	s30 =	sand.u32 $0x1, s11;
	v2 =	vld [tilespmem:s18+$0xFFFFFFF0]  }
0x30: {  	s15 =	smul.u32 $0x8100, s30;
	s14 =	sshrl.u32 s14, $0x2;
	v0 =	vld [tilespmem:s18+$0x0]  }
0x31: {  	v1 =	vld [tilespmem:s18+$0xFFFFFFE0];
	s16 =	sor.u32 $0x4000, s14  }
0x32: {  	s31 =	sshrl.u32 s15, $0x2;
	s15 =	sadd.s32 $0x0, s16  }
0x33: {  	s17 =	simm.s32 $0x4;
	s18 =	sadd.s32 $0x40, s18;
	s14 =	sor.u32 $0x4000, s31;
	[tilespmem:s15+$0x1830 ss:$0x81] =	vst.msk $0xffff, v3  }
.LBB1_3:
0x34: {  	v3 =	vld [tilespmem:s18+$0x10];
	p1 =	sne.s32 s17, $0x1FC;
	[tilespmem:s15+$0x810 ss:$0x81] =	vst.msk $0xffff, v2;
	s19 =	smov.u32 s17;
	s17 =	sadd.s32 $0x4, s17  }
.Ltmp3:
0x35: {  	v2 =	vld [tilespmem:s18+$0xFFFFFFF0];
	[tilespmem:s15+$0x1020 ss:$0x81] =	vst.msk $0xffff, v0;
	(pc) =	sbr.rel @p1 .LBB1_3-.Ltmp3, $4  }
0x36: {  	v0 =	vld [tilespmem:s18+$0x0];
	[tilespmem:s15+$0x0 ss:$0x81] =	vst.msk $0xffff, v1  }
0x37: {  	s15 =	sshra.s32 s19, $0x2;
	v1 =	vld [tilespmem:s18+$0xFFFFFFE0]  }
0x38: {  	s15 =	sadd.s32 s15, s16  }
0x39: {  	s18 =	sadd.s32 $0x40, s18;
	[tilespmem:s15+$0x1830 ss:$0x81] =	vst.msk $0xffff, v3  }
.Ltmp4:
0x3a: {  	_ = 	snop;
	(pc) =	sbr.rel .LBB1_4-.Ltmp4, $1  }
0x3b: {  	_ =	sdelay $0x3  }
.LBB1_6:
0x3c: {  	_ =	sfence.sel $0x180000  }
0x3d: {  	s2 =	simm.s32 $0x1;
	[bflag:$0x0] =	sbarrier.arrive $0xFFFF  }
0x3e: {  	s31 =	simm.s32 $0x2;
	[sflag:s2] =	ssyncpa.u1 $0x1  }
0x3f: {  	[sflag:s31] =	ssyncpa.u1 $0x1  }
0x40: {  	p0 =	sne.s32 s0, $0x0;
	_ =	strace $0x9000004A  }
0x41: {  	s0 =	sadd.s32 @!p0 $0x100000, s1;
	[bflag:$0x2] =	sbarrier.arrive $0xFFFF  }
0x42: {  	[sflag:s0] =	ssyncadd.tile.s32 @!p0 $0x1;
	_ =	shalt  }
.Lfunc_end1:
_tile_overlayer_lowered:
.L_overlay_start_2:
0x43: {  	(tag) =	ssettag $0x2  }
0x44: {  	s0 =	rddreg [dreg:$0x0];
	s2 =	stileid.u32  }
0x45: {  	s1 =	rddreg [dreg:$0x1];
	p0 =	sne.s32 s2, $0x0  }
0x46: {  	s3 =	rddreg [dreg:$0x2];
	[bflag:$0x3] =	sbarrier.arrive $0xFFFF;
	s2 =	simm.s32 @!p0 $0x1C01  }
0x47: {  	[timem:s3], [sflag:s2] =	dma.local @!p0 [hbm:s0], s1  }
0x48: {  	s0 =	simm.s32 @!p0 $0x1  }
0x49: {  	_ =	swait.ge @!p0 [sflag:s0], s1  }
0x4a: {  	s1 =	ssub.s32 @!p0 $0x0, s1;
	[sflag:s0] =	ssyncset.done @!p0 $0x0  }
0x4b: {  	[sflag:s0] =	ssyncadd.s32 @!p0 s1  }
0x4c: {  	[bflag:$0x3] =	sbarrier.arrive $0xFFFF  }
0x4d: {  	_ =	shalt  }

</sc_bundles>
